<compile_context>
chip_gen: v7x
topology: tpu7x:2x2x1
jax: 0.10.2.dev20260603
libtpu: 0.0.44.dev20260713+nightly
codegen_flags: <defaults>
</compile_context>

<pallas_src>
import functools

import jax
import jax.numpy as jnp
from jax import lax
from jax.experimental import pallas as pl
from jax.experimental.pallas import tpu as pltpu
from jax.experimental.pallas import tpu_sc as plsc

_V = 100000
_VM = 99968
_VT = _V - _VM
_D = 300
_B = 4096
_S = 200
_NC = 2
_NS = 16
_NW = _NC * _NS
_CS = 8
_CB = 512
_NCH = (_S // _CS) * (_B // _CB)
_NPR = _NCH // 2


def _gather_body(idxT_hbm, tabT_hbm, tail3_hbm, dvals_hbm, outT_hbm,
                 row_m, tail_v, idx0, idx1, out0, out1, didx,
                 sem_r, sem_i0, sem_i1, sem_o0, sem_o1):
    cid = lax.axis_index("c")
    sid = lax.axis_index("s")
    w = sid * _NC + cid
    start = 9 * w + jnp.minimum(w, 12)
    n_rows = jnp.where(w < 12, 10, 9)

    lanes = lax.iota(jnp.int32, 16)
    zeros16 = lanes * 0

    def chunk_pos(c):
        s0 = (c // (_B // _CB)) * _CS
        b0 = (c % (_B // _CB)) * _CB
        return s0, b0

    def issue_idx(c, buf, sem):
        s0, b0 = chunk_pos(c)
        return pltpu.async_copy(
            idxT_hbm.at[pl.ds(s0, _CS), pl.ds(b0, _CB)], buf, sem)

    def compute(idx_v, out_v):
        def j_body(j, carry):
            for s in range(_CS):
                iv = idx_v[s, pl.ds(16 * j, 16)]
                g = plsc.load_gather(row_m.at[0], [jnp.minimum(iv, _VM - 1)])
                t = plsc.load_gather(tail_v.at[0], [jnp.maximum(iv - _VM, 0)])
                out_v[s, pl.ds(16 * j, 16)] = jnp.where(iv >= _VM, t, g)
            return carry
        lax.fori_loop(0, _CB // 16, j_body, 0)

    def issue_out(c, d, buf, sem):
        s0, b0 = chunk_pos(c)
        return pltpu.async_copy(
            buf, outT_hbm.at[d, pl.ds(s0, _CS), pl.ds(b0, _CB)], sem)

    def row_loop(r, carry):
        @pl.when(r < n_rows)
        def _():
            d = start + r
            pltpu.sync_copy(dvals_hbm.at[d, 0], didx)
            pltpu.async_copy(
                tabT_hbm.at[didx, pl.ds(0, _VM)],
                row_m, sem_r).wait()
            pltpu.sync_copy(tail3_hbm.at[d], tail_v)

            issue_idx(0, idx0, sem_i0)

            def pair_body(p, carry2):
                c0 = 2 * p
                c1 = c0 + 1
                gi1 = issue_idx(c1, idx1, sem_i1)
                s0, b0 = chunk_pos(c0)
                pltpu.make_async_copy(
                    idxT_hbm.at[pl.ds(s0, _CS), pl.ds(b0, _CB)],
                    idx0, sem_i0).wait()
                compute(idx0, out0)
                go0 = issue_out(c0, d, out0, sem_o0)

                @pl.when(p + 1 < _NPR)
                def _():
                    issue_idx(c0 + 2, idx0, sem_i0)

                gi1.wait()
                compute(idx1, out1)
                go1 = issue_out(c1, d, out1, sem_o1)
                go0.wait()
                go1.wait()
                return carry2

            lax.fori_loop(0, _NPR, pair_body, 0)
        return carry

    lax.fori_loop(0, 10, row_loop, 0)


@functools.partial(jax.jit, static_argnums=())
def kernel(data, table):
    idx_t = data.T.astype(jnp.int32)
    tab_t = table.T
    tail3 = tab_t[:, _VM:].reshape(_D, 1, _VT)
    dvals = jnp.arange(_D, dtype=jnp.int32).reshape(_D, 1, 1)
    mesh = plsc.VectorSubcoreMesh(
        core_axis_name="c", subcore_axis_name="s",
        num_cores=_NC, num_subcores=_NS)
    k = pl.kernel(
        _gather_body,
        out_type=jax.ShapeDtypeStruct((_D, _S, _B), jnp.float32),
        mesh=mesh,
        compiler_params=pltpu.CompilerParams(needs_layout_passes=False),
        scratch_types=[
            pltpu.VMEM((1, _VM), jnp.float32),
            pltpu.VMEM((1, _VT), jnp.float32),
            pltpu.VMEM((_CS, _CB), jnp.int32),
            pltpu.VMEM((_CS, _CB), jnp.int32),
            pltpu.VMEM((_CS, _CB), jnp.float32),
            pltpu.VMEM((_CS, _CB), jnp.float32),
            pltpu.VMEM((1,), jnp.int32),
            pltpu.SemaphoreType.DMA,
            pltpu.SemaphoreType.DMA,
            pltpu.SemaphoreType.DMA,
            pltpu.SemaphoreType.DMA,
            pltpu.SemaphoreType.DMA,
        ],
    )
    out_t = k(idx_t, tab_t, tail3, dvals)
    return out_t.transpose(2, 1, 0)

# --- scband reference (transcript-rebuilt; emitter-appended) ---
"""Pipeline reference for scband-embeddings-base-classifier-19292993093810 (READ-ONLY COPY).

The authoritative reference and input builder live on the scoring server;
editing this copy changes nothing except your own understanding.
"""

import jax, jax.numpy as jnp
import numpy as np

VOCAB = 100000
VECTOR_SIZE = 300
BATCH = 4096
SEQ = 200

def setup_inputs(seed: int = 0) -> dict:
    key = jax.random.key(seed)
    k1, k2 = jax.random.split(key)
    # Embedding table (from_pretrained: randn-initialized, row 0 = padding zeros)
    table = jax.random.normal(k1, (VOCAB, VECTOR_SIZE), dtype=jnp.float32)
    table = table.at[0].set(jnp.zeros(VECTOR_SIZE, dtype=jnp.float32))
    data = jax.random.randint(k2, (BATCH, SEQ), 0, VOCAB, dtype=jnp.int64)
    return {"data": data, "table": table}

def reference(data, table):
    # nn.Embedding.from_pretrained(..., padding_idx=0): pure row gather.
    # forward_pass(input) -> self.__call__(data) -> embedding lookup.
    out = jnp.take(table, data, axis=0)  # [B, L, vector_size]
    return out

if __name__ == "__main__":
    import jax
    _d = setup_inputs()
    print(jax.jit(kernel)(*tuple(_d.values())))

</pallas_src>

<mosaic_0001>
#map = affine_map<(d0, d1) -> (0, 0)>
#map1 = affine_map<(d0, d1) -> (0, 0, 0)>
module attributes {stable_mosaic.version = 14 : i64} {
  func.func @_gather_body(%arg0: i32, %arg1: i32, %arg2: memref<200x4096xi32, #tpu.memory_space<hbm>>, %arg3: memref<300x100000xf32, #tpu.memory_space<hbm>>, %arg4: memref<300x1x32xf32, #tpu.memory_space<hbm>>, %arg5: memref<300x1x1xi32, #tpu.memory_space<hbm>>, %arg6: memref<300x200x4096xf32, #tpu.memory_space<hbm>>, %arg7: memref<1x99968xf32, #tpu.memory_space<vmem>>, %arg8: memref<1x32xf32, #tpu.memory_space<vmem>>, %arg9: memref<8x512xi32, #tpu.memory_space<vmem>>, %arg10: memref<8x512xi32, #tpu.memory_space<vmem>>, %arg11: memref<8x512xf32, #tpu.memory_space<vmem>>, %arg12: memref<8x512xf32, #tpu.memory_space<vmem>>, %arg13: memref<1xi32, #tpu.memory_space<vmem>>, %arg14: memref<!tpu.dma_semaphore, #tpu.memory_space<semaphore_mem>>, %arg15: memref<!tpu.dma_semaphore, #tpu.memory_space<semaphore_mem>>, %arg16: memref<!tpu.dma_semaphore, #tpu.memory_space<semaphore_mem>>, %arg17: memref<!tpu.dma_semaphore, #tpu.memory_space<semaphore_mem>>, %arg18: memref<!tpu.dma_semaphore, #tpu.memory_space<semaphore_mem>>) attributes {dimension_semantics = [#tpu.dimension_semantics<core_parallel>, #tpu.dimension_semantics<subcore_parallel>], iteration_bounds = array<i64: 2, 16>, scalar_prefetch = 0 : i64, scratch_operands = 12 : i64, tpu.core_type = #tpu.core_type<sc_vector_subcore>, window_params = [{transform_indices = #map}, {transform_indices = #map}, {transform_indices = #map1}, {transform_indices = #map1}, {transform_indices = #map1}]} {
    %mul3A = arith.constant 2 : i32
    %mul3A_0 = arith.muli %arg1, %mul3A : i32
    %add3A = arith.addi %mul3A_0, %arg0 : i32
    %mul3A_1 = arith.constant 9 : i32
    %mul3A_2 = arith.muli %mul3A_1, %add3A : i32
    %min3A = arith.constant 12 : i32
    %min3A_3 = arith.minsi %add3A, %min3A : i32
    %add3A_4 = arith.addi %mul3A_2, %min3A_3 : i32
    %lt3A = arith.constant 12 : i32
    %lt3A_5 = arith.cmpi slt, %add3A, %lt3A : i32
    %jit3A = arith.constant 10 : i32
    %jit3A_6 = arith.constant 9 : i32
    %select_n3A = arith.select %lt3A_5, %jit3A, %jit3A_6 : i32
    %iota3A = tpu.iota {dimensions = array<i32: 0>} : vector<16xi32>
    %mul3A_7 = arith.constant 0 : i32
    %mul3A_8 = vector.broadcast %mul3A_7 : i32 to vector<16xi32>
    %mul3A_9 = arith.muli %iota3A, %mul3A_8 : vector<16xi32>
    %scan3A = arith.constant 0 : i32
    %scan3A_10 = arith.constant 0 : i32
    %scan3A_11 = arith.constant 10 : i32
    %scan3A_12 = arith.addi %scan3A_10, %scan3A_11 : i32
    %scan3A_13 = arith.constant 1 : i32
    scf.for %scan3A_15 = %scan3A_10 to %scan3A_12 step %scan3A_13  : i32 {
      %lt3A_16 = arith.cmpi slt, %scan3A_15, %select_n3A : i32
      %convert_element_type3A = arith.extui %lt3A_16 : i1 to i32
      %cond3A = arith.constant 0 : i32
      %cond3A_17 = arith.cmpi ne, %convert_element_type3A, %cond3A : i32
      scf.if %cond3A_17 {
        %add3A_18 = arith.addi %add3A_4, %scan3A_15 : i32
        %run_scoped3A = arith.constant 0 : i32
        "tpu.region"() ({
          %run_scoped3A_35 = tpu.sem_alloc : memref<!tpu.dma_semaphore, #tpu.memory_space<semaphore_mem>>
          %dma_start3A_36 = arith.constant 0 : i32
          %dma_start3A_37 = tpu.memref_slice %arg5[%add3A_18, %run_scoped3A, %dma_start3A_36] : memref<300x1x1xi32, #tpu.memory_space<hbm>> -> memref<1x1x1xi32, #tpu.memory_space<hbm>>
          %dma_start3A_38 = tpu.memref_squeeze %dma_start3A_37 : memref<1x1x1xi32, #tpu.memory_space<hbm>> -> memref<1xi32, #tpu.memory_space<hbm>>
          %dma_start3A_39 = arith.constant 0 : i32
          %dma_start3A_40 = tpu.memref_slice %arg5[%add3A_18, %run_scoped3A, %dma_start3A_39] : memref<300x1x1xi32, #tpu.memory_space<hbm>> -> memref<1x1x1xi32, #tpu.memory_space<hbm>>
          %dma_start3A_41 = tpu.memref_squeeze %dma_start3A_40 : memref<1x1x1xi32, #tpu.memory_space<hbm>> -> memref<1xi32, #tpu.memory_space<hbm>>
          tpu.enqueue_dma source(%dma_start3A_41 : memref<1xi32, #tpu.memory_space<hbm>>) target(%arg13 : memref<1xi32, #tpu.memory_space<vmem>>) target_semaphore(%run_scoped3A_35 : memref<!tpu.dma_semaphore, #tpu.memory_space<semaphore_mem>>)
          %dma_wait3A_42 = arith.constant 0 : i32
          %dma_wait3A_43 = tpu.memref_slice %arg5[%add3A_18, %run_scoped3A, %dma_wait3A_42] : memref<300x1x1xi32, #tpu.memory_space<hbm>> -> memref<1x1x1xi32, #tpu.memory_space<hbm>>
          %dma_wait3A_44 = tpu.memref_squeeze %dma_wait3A_43 : memref<1x1x1xi32, #tpu.memory_space<hbm>> -> memref<1xi32, #tpu.memory_space<hbm>>
          %dma_wait3A_45 = arith.constant 0 : i32
          %dma_wait3A_46 = tpu.memref_slice %arg5[%add3A_18, %run_scoped3A, %dma_wait3A_45] : memref<300x1x1xi32, #tpu.memory_space<hbm>> -> memref<1x1x1xi32, #tpu.memory_space<hbm>>
          %dma_wait3A_47 = tpu.memref_squeeze %dma_wait3A_46 : memref<1x1x1xi32, #tpu.memory_space<hbm>> -> memref<1xi32, #tpu.memory_space<hbm>>
          tpu.wait_dma2 semaphore(%run_scoped3A_35 : memref<!tpu.dma_semaphore, #tpu.memory_space<semaphore_mem>>) src(%dma_wait3A_47 : memref<1xi32, #tpu.memory_space<hbm>>) dst(%arg13 : memref<1xi32, #tpu.memory_space<vmem>>)
          tpu.yield
        }) : () -> ()
        %dma_start3A = arith.constant 0 : i32
        %dma_start3A_19 = arith.constant 0 : i32
        %dma_start3A_20 = tpu.memref_slice %arg3[%dma_start3A, %dma_start3A_19] : memref<300x100000xf32, #tpu.memory_space<hbm>> -> memref<300x99968xf32, #tpu.memory_space<hbm>>
        tpu.enqueue_indirect_dma source(%dma_start3A_20 : memref<300x99968xf32, #tpu.memory_space<hbm>>) target(%arg7 : memref<1x99968xf32, #tpu.memory_space<vmem>>) offsets(%arg13 : memref<1xi32, #tpu.memory_space<vmem>>) semaphore(%arg14 : memref<!tpu.dma_semaphore, #tpu.memory_space<semaphore_mem>>)
        %dma_wait3A = arith.constant 0 : i32
        %dma_wait3A_21 = arith.constant 0 : i32
        %dma_wait3A_22 = tpu.memref_slice %arg3[%dma_wait3A, %dma_wait3A_21] : memref<300x100000xf32, #tpu.memory_space<hbm>> -> memref<300x99968xf32, #tpu.memory_space<hbm>>
        tpu.wait_indirect_dma semaphore(%arg14 : memref<!tpu.dma_semaphore, #tpu.memory_space<semaphore_mem>>) src(%dma_wait3A_22 : memref<300x99968xf32, #tpu.memory_space<hbm>>) dst(%arg7 : memref<1x99968xf32, #tpu.memory_space<vmem>>)
        "tpu.region"() ({
          %run_scoped3A_35 = tpu.sem_alloc : memref<!tpu.dma_semaphore, #tpu.memory_space<semaphore_mem>>
          %dma_start3A_36 = arith.constant 0 : i32
          %dma_start3A_37 = arith.constant 0 : i32
          %dma_start3A_38 = tpu.memref_slice %arg4[%add3A_18, %dma_start3A_36, %dma_start3A_37] : memref<300x1x32xf32, #tpu.memory_space<hbm>> -> memref<1x1x32xf32, #tpu.memory_space<hbm>>
          %dma_start3A_39 = tpu.memref_squeeze %dma_start3A_38 : memref<1x1x32xf32, #tpu.memory_space<hbm>> -> memref<1x32xf32, #tpu.memory_space<hbm>>
          %dma_start3A_40 = arith.constant 0 : i32
          %dma_start3A_41 = arith.constant 0 : i32
          %dma_start3A_42 = tpu.memref_slice %arg4[%add3A_18, %dma_start3A_40, %dma_start3A_41] : memref<300x1x32xf32, #tpu.memory_space<hbm>> -> memref<1x1x32xf32, #tpu.memory_space<hbm>>
          %dma_start3A_43 = tpu.memref_squeeze %dma_start3A_42 : memref<1x1x32xf32, #tpu.memory_space<hbm>> -> memref<1x32xf32, #tpu.memory_space<hbm>>
          tpu.enqueue_dma source(%dma_start3A_43 : memref<1x32xf32, #tpu.memory_space<hbm>>) target(%arg8 : memref<1x32xf32, #tpu.memory_space<vmem>>) target_semaphore(%run_scoped3A_35 : memref<!tpu.dma_semaphore, #tpu.memory_space<semaphore_mem>>)
          %dma_wait3A_44 = arith.constant 0 : i32
          %dma_wait3A_45 = arith.constant 0 : i32
          %dma_wait3A_46 = tpu.memref_slice %arg4[%add3A_18, %dma_wait3A_44, %dma_wait3A_45] : memref<300x1x32xf32, #tpu.memory_space<hbm>> -> memref<1x1x32xf32, #tpu.memory_space<hbm>>
          %dma_wait3A_47 = tpu.memref_squeeze %dma_wait3A_46 : memref<1x1x32xf32, #tpu.memory_space<hbm>> -> memref<1x32xf32, #tpu.memory_space<hbm>>
          %dma_wait3A_48 = arith.constant 0 : i32
          %dma_wait3A_49 = arith.constant 0 : i32
          %dma_wait3A_50 = tpu.memref_slice %arg4[%add3A_18, %dma_wait3A_48, %dma_wait3A_49] : memref<300x1x32xf32, #tpu.memory_space<hbm>> -> memref<1x1x32xf32, #tpu.memory_space<hbm>>
          %dma_wait3A_51 = tpu.memref_squeeze %dma_wait3A_50 : memref<1x1x32xf32, #tpu.memory_space<hbm>> -> memref<1x32xf32, #tpu.memory_space<hbm>>
          tpu.wait_dma2 semaphore(%run_scoped3A_35 : memref<!tpu.dma_semaphore, #tpu.memory_space<semaphore_mem>>) src(%dma_wait3A_51 : memref<1x32xf32, #tpu.memory_space<hbm>>) dst(%arg8 : memref<1x32xf32, #tpu.memory_space<vmem>>)
          tpu.yield
        }) : () -> ()
        %dma_start3A_23 = arith.constant 0 : i32
        %dma_start3A_24 = arith.constant 0 : i32
        %dma_start3A_25 = tpu.memref_slice %arg2[%dma_start3A_23, %dma_start3A_24] : memref<200x4096xi32, #tpu.memory_space<hbm>> -> memref<8x512xi32, #tpu.memory_space<hbm>>
        %dma_start3A_26 = arith.constant 0 : i32
        %dma_start3A_27 = arith.constant 0 : i32
        %dma_start3A_28 = tpu.memref_slice %arg2[%dma_start3A_26, %dma_start3A_27] : memref<200x4096xi32, #tpu.memory_space<hbm>> -> memref<8x512xi32, #tpu.memory_space<hbm>>
        tpu.enqueue_dma source(%dma_start3A_28 : memref<8x512xi32, #tpu.memory_space<hbm>>) target(%arg9 : memref<8x512xi32, #tpu.memory_space<vmem>>) target_semaphore(%arg15 : memref<!tpu.dma_semaphore, #tpu.memory_space<semaphore_mem>>)
        %scan3A_29 = arith.constant 0 : i32
        %scan3A_30 = arith.constant 0 : i32
        %scan3A_31 = arith.constant 100 : i32
        %scan3A_32 = arith.addi %scan3A_30, %scan3A_31 : i32
        %scan3A_33 = arith.constant 1 : i32
        scf.for %scan3A_35 = %scan3A_30 to %scan3A_32 step %scan3A_33  : i32 {
          %mul3A_36 = arith.constant 2 : i32
          %mul3A_37 = arith.muli %mul3A_36, %scan3A_35 : i32
          %add3A_38 = arith.constant 1 : i32
          %add3A_39 = arith.addi %mul3A_37, %add3A_38 : i32
          %jit3A_40 = arith.constant 8 : i32
          %div3A = arith.divsi %add3A_39, %jit3A_40 : i32
          %sign3A = arith.constant 0 : i32
          %sign3A_41 = arith.cmpi sgt, %add3A_39, %sign3A : i32
          %sign3A_42 = arith.extui %sign3A_41 : i1 to i32
          %sign3A_43 = arith.constant 0 : i32
          %sign3A_44 = arith.cmpi slt, %add3A_39, %sign3A_43 : i32
          %sign3A_45 = arith.extui %sign3A_44 : i1 to i32
          %sign3A_46 = arith.subi %sign3A_42, %sign3A_45 : i32
          %sign3A_47 = arith.constant 0 : i32
          %sign3A_48 = arith.cmpi sgt, %jit3A_40, %sign3A_47 : i32
          %sign3A_49 = arith.extui %sign3A_48 : i1 to i32
          %sign3A_50 = arith.constant 0 : i32
          %sign3A_51 = arith.cmpi slt, %jit3A_40, %sign3A_50 : i32
          %sign3A_52 = arith.extui %sign3A_51 : i1 to i32
          %sign3A_53 = arith.subi %sign3A_49, %sign3A_52 : i32
          %ne3A = arith.cmpi ne, %sign3A_46, %sign3A_53 : i32
          %rem3A = arith.remsi %add3A_39, %jit3A_40 : i32
          %ne3A_54 = arith.constant 0 : i32
          %ne3A_55 = arith.cmpi ne, %rem3A, %ne3A_54 : i32
          %and3A = arith.andi %ne3A, %ne3A_55 : i1
          %sub3A = arith.constant 1 : i32
          %sub3A_56 = arith.subi %div3A, %sub3A : i32
          %select_n3A_57 = arith.select %and3A, %sub3A_56, %div3A : i32
          %mul3A_58 = arith.constant 8 : i32
          %mul3A_59 = arith.muli %select_n3A_57, %mul3A_58 : i32
          %jit3A_60 = arith.constant 8 : i32
          %eq3A = arith.constant 0 : i32
          %eq3A_61 = arith.cmpi eq, %jit3A_60, %eq3A : i32
          %jit3A_62 = arith.constant 1 : i32
          %select_n3A_63 = arith.select %eq3A_61, %jit3A_62, %jit3A_60 : i32
          %rem3A_64 = arith.remsi %add3A_39, %select_n3A_63 : i32
          %ne3A_65 = arith.constant 0 : i32
          %ne3A_66 = arith.cmpi ne, %rem3A_64, %ne3A_65 : i32
          %lt3A_67 = arith.constant 0 : i32
          %lt3A_68 = arith.cmpi slt, %rem3A_64, %lt3A_67 : i32
          %lt3A_69 = arith.constant 0 : i32
          %lt3A_70 = arith.cmpi slt, %select_n3A_63, %lt3A_69 : i32
          %ne3A_71 = arith.xori %lt3A_68, %lt3A_70 : i1
          %and3A_72 = arith.andi %ne3A_71, %ne3A_66 : i1
          %add3A_73 = arith.addi %rem3A_64, %select_n3A_63 : i32
          %select_n3A_74 = arith.select %and3A_72, %add3A_73, %rem3A_64 : i32
          %mul3A_75 = arith.constant 512 : i32
          %mul3A_76 = arith.muli %select_n3A_74, %mul3A_75 : i32
          %dma_start3A_77 = tpu.memref_slice %arg2[%mul3A_59, %mul3A_76] : memref<200x4096xi32, #tpu.memory_space<hbm>> -> memref<8x512xi32, #tpu.memory_space<hbm>>
          %dma_start3A_78 = tpu.memref_slice %arg2[%mul3A_59, %mul3A_76] : memref<200x4096xi32, #tpu.memory_space<hbm>> -> memref<8x512xi32, #tpu.memory_space<hbm>>
          tpu.enqueue_dma source(%dma_start3A_78 : memref<8x512xi32, #tpu.memory_space<hbm>>) target(%arg10 : memref<8x512xi32, #tpu.memory_space<vmem>>) target_semaphore(%arg16 : memref<!tpu.dma_semaphore, #tpu.memory_space<semaphore_mem>>)
          %jit3A_79 = arith.constant 8 : i32
          %div3A_80 = arith.divsi %mul3A_37, %jit3A_79 : i32
          %sign3A_81 = arith.constant 0 : i32
          %sign3A_82 = arith.cmpi sgt, %mul3A_37, %sign3A_81 : i32
          %sign3A_83 = arith.extui %sign3A_82 : i1 to i32
          %sign3A_84 = arith.constant 0 : i32
          %sign3A_85 = arith.cmpi slt, %mul3A_37, %sign3A_84 : i32
          %sign3A_86 = arith.extui %sign3A_85 : i1 to i32
          %sign3A_87 = arith.subi %sign3A_83, %sign3A_86 : i32
          %sign3A_88 = arith.constant 0 : i32
          %sign3A_89 = arith.cmpi sgt, %jit3A_79, %sign3A_88 : i32
          %sign3A_90 = arith.extui %sign3A_89 : i1 to i32
          %sign3A_91 = arith.constant 0 : i32
          %sign3A_92 = arith.cmpi slt, %jit3A_79, %sign3A_91 : i32
          %sign3A_93 = arith.extui %sign3A_92 : i1 to i32
          %sign3A_94 = arith.subi %sign3A_90, %sign3A_93 : i32
          %ne3A_95 = arith.cmpi ne, %sign3A_87, %sign3A_94 : i32
          %rem3A_96 = arith.remsi %mul3A_37, %jit3A_79 : i32
          %ne3A_97 = arith.constant 0 : i32
          %ne3A_98 = arith.cmpi ne, %rem3A_96, %ne3A_97 : i32
          %and3A_99 = arith.andi %ne3A_95, %ne3A_98 : i1
          %sub3A_100 = arith.constant 1 : i32
          %sub3A_101 = arith.subi %div3A_80, %sub3A_100 : i32
          %select_n3A_102 = arith.select %and3A_99, %sub3A_101, %div3A_80 : i32
          %mul3A_103 = arith.constant 8 : i32
          %mul3A_104 = arith.muli %select_n3A_102, %mul3A_103 : i32
          %jit3A_105 = arith.constant 8 : i32
          %eq3A_106 = arith.constant 0 : i32
          %eq3A_107 = arith.cmpi eq, %jit3A_105, %eq3A_106 : i32
          %jit3A_108 = arith.constant 1 : i32
          %select_n3A_109 = arith.select %eq3A_107, %jit3A_108, %jit3A_105 : i32
          %rem3A_110 = arith.remsi %mul3A_37, %select_n3A_109 : i32
          %ne3A_111 = arith.constant 0 : i32
          %ne3A_112 = arith.cmpi ne, %rem3A_110, %ne3A_111 : i32
          %lt3A_113 = arith.constant 0 : i32
          %lt3A_114 = arith.cmpi slt, %rem3A_110, %lt3A_113 : i32
          %lt3A_115 = arith.constant 0 : i32
          %lt3A_116 = arith.cmpi slt, %select_n3A_109, %lt3A_115 : i32
          %ne3A_117 = arith.xori %lt3A_114, %lt3A_116 : i1
          %and3A_118 = arith.andi %ne3A_117, %ne3A_112 : i1
          %add3A_119 = arith.addi %rem3A_110, %select_n3A_109 : i32
          %select_n3A_120 = arith.select %and3A_118, %add3A_119, %rem3A_110 : i32
          %mul3A_121 = arith.constant 512 : i32
          %mul3A_122 = arith.muli %select_n3A_120, %mul3A_121 : i32
          %dma_wait3A_123 = tpu.memref_slice %arg2[%mul3A_104, %mul3A_122] : memref<200x4096xi32, #tpu.memory_space<hbm>> -> memref<8x512xi32, #tpu.memory_space<hbm>>
          %dma_wait3A_124 = tpu.memref_slice %arg2[%mul3A_104, %mul3A_122] : memref<200x4096xi32, #tpu.memory_space<hbm>> -> memref<8x512xi32, #tpu.memory_space<hbm>>
          tpu.wait_dma2 semaphore(%arg15 : memref<!tpu.dma_semaphore, #tpu.memory_space<semaphore_mem>>) src(%dma_wait3A_124 : memref<8x512xi32, #tpu.memory_space<hbm>>) dst(%arg9 : memref<8x512xi32, #tpu.memory_space<vmem>>)
          %scan3A_125 = arith.constant 0 : i32
          %scan3A_126 = arith.constant 0 : i32
          %scan3A_127 = arith.constant 32 : i32
          %scan3A_128 = arith.addi %scan3A_126, %scan3A_127 : i32
          %scan3A_129 = arith.constant 1 : i32
          scf.for %scan3A_250 = %scan3A_126 to %scan3A_128 step %scan3A_129  : i32 {
            %mul3A_251 = arith.constant 16 : i32
            %mul3A_252 = arith.muli %mul3A_251, %scan3A_250 : i32
            %get3A = arith.constant 0 : i32
            %get3A_253 = arith.index_cast %get3A : i32 to index
            %get3A_254 = arith.index_cast %mul3A_252 : i32 to index
            %get3A_255 = tpu.vector_load %arg9[%get3A_253, %get3A_254] {strides = array<i32>} : memref<8x512xi32, #tpu.memory_space<vmem>>, vector<16xi32>,
            %min3A_256 = arith.constant 99967 : i32
            %min3A_257 = vector.broadcast %min3A_256 : i32 to vector<16xi32>
            %min3A_258 = arith.minsi %get3A_255, %min3A_257 : vector<16xi32>
            %gather3A = arith.constant 0 : i32
            %gather3A_259 = arith.constant 0 : i32
            %gather3A_260 = tpu.memref_slice %arg7[%gather3A, %gather3A_259] : memref<1x99968xf32, #tpu.memory_space<vmem>> -> memref<1x99968xf32, #tpu.memory_space<vmem>>
            %gather3A_261 = tpu.memref_squeeze %gather3A_260 : memref<1x99968xf32, #tpu.memory_space<vmem>> -> memref<99968xf32, #tpu.memory_space<vmem>>
            %gather3A_262 = tpu.vector_load_idx %gather3A_261[%min3A_258] : memref<99968xf32, #tpu.memory_space<vmem>>[vector<16xi32>], vector<16xf32>,
            %sub3A_263 = arith.constant 99968 : i32
            %sub3A_264 = vector.broadcast %sub3A_263 : i32 to vector<16xi32>
            %sub3A_265 = arith.subi %get3A_255, %sub3A_264 : vector<16xi32>
            %max3A = arith.constant 0 : i32
            %max3A_266 = vector.broadcast %max3A : i32 to vector<16xi32>
            %max3A_267 = arith.maxsi %sub3A_265, %max3A_266 : vector<16xi32>
            %gather3A_268 = arith.constant 0 : i32
            %gather3A_269 = arith.constant 0 : i32
            %gather3A_270 = tpu.memref_slice %arg8[%gather3A_268, %gather3A_269] : memref<1x32xf32, #tpu.memory_space<vmem>> -> memref<1x32xf32, #tpu.memory_space<vmem>>
            %gather3A_271 = tpu.memref_squeeze %gather3A_270 : memref<1x32xf32, #tpu.memory_space<vmem>> -> memref<32xf32, #tpu.memory_space<vmem>>
            %gather3A_272 = tpu.vector_load_idx %gather3A_271[%max3A_267] : memref<32xf32, #tpu.memory_space<vmem>>[vector<16xi32>], vector<16xf32>,
            %ge3A = arith.constant 99968 : i32
            %ge3A_273 = vector.broadcast %ge3A : i32 to vector<16xi32>
            %ge3A_274 = arith.cmpi sge, %get3A_255, %ge3A_273 : vector<16xi32>
            %select_n3A_275 = arith.select %ge3A_274, %gather3A_272, %gather3A_262 : vector<16xi1>, vector<16xf32>
            %mul3A_276 = arith.constant 16 : i32
            %mul3A_277 = arith.muli %mul3A_276, %scan3A_250 : i32
            %swap3A = arith.constant 0 : i32
            %swap3A_278 = arith.index_cast %swap3A : i32 to index
            %swap3A_279 = arith.index_cast %mul3A_277 : i32 to index
            %swap3A_280 = tpu.vector_load %arg11[%swap3A_278, %swap3A_279] {strides = array<i32>} : memref<8x512xf32, #tpu.memory_space<vmem>>, vector<16xf32>,
            tpu.vector_store %arg11[%swap3A_278, %swap3A_279], %select_n3A_275 {strides = array<i32>} : memref<8x512xf32, #tpu.memory_space<vmem>>, vector<16xf32>,
            %mul3A_281 = arith.constant 16 : i32
            %mul3A_282 = arith.muli %mul3A_281, %scan3A_250 : i32
            %get3A_283 = arith.constant 1 : i32
            %get3A_284 = arith.index_cast %get3A_283 : i32 to index
            %get3A_285 = arith.index_cast %mul3A_282 : i32 to index
            %get3A_286 = tpu.vector_load %arg9[%get3A_284, %get3A_285] {strides = array<i32>} : memref<8x512xi32, #tpu.memory_space<vmem>>, vector<16xi32>,
            %min3A_287 = arith.constant 99967 : i32
            %min3A_288 = vector.broadcast %min3A_287 : i32 to vector<16xi32>
            %min3A_289 = arith.minsi %get3A_286, %min3A_288 : vector<16xi32>
            %gather3A_290 = arith.constant 0 : i32
            %gather3A_291 = arith.constant 0 : i32
            %gather3A_292 = tpu.memref_slice %arg7[%gather3A_290, %gather3A_291] : memref<1x99968xf32, #tpu.memory_space<vmem>> -> memref<1x99968xf32, #tpu.memory_space<vmem>>
            %gather3A_293 = tpu.memref_squeeze %gather3A_292 : memref<1x99968xf32, #tpu.memory_space<vmem>> -> memref<99968xf32, #tpu.memory_space<vmem>>
            %gather3A_294 = tpu.vector_load_idx %gather3A_293[%min3A_289] : memref<99968xf32, #tpu.memory_space<vmem>>[vector<16xi32>], vector<16xf32>,
            %sub3A_295 = arith.constant 99968 : i32
            %sub3A_296 = vector.broadcast %sub3A_295 : i32 to vector<16xi32>
            %sub3A_297 = arith.subi %get3A_286, %sub3A_296 : vector<16xi32>
            %max3A_298 = arith.constant 0 : i32
            %max3A_299 = vector.broadcast %max3A_298 : i32 to vector<16xi32>
            %max3A_300 = arith.maxsi %sub3A_297, %max3A_299 : vector<16xi32>
            %gather3A_301 = arith.constant 0 : i32
            %gather3A_302 = arith.constant 0 : i32
            %gather3A_303 = tpu.memref_slice %arg8[%gather3A_301, %gather3A_302] : memref<1x32xf32, #tpu.memory_space<vmem>> -> memref<1x32xf32, #tpu.memory_space<vmem>>
            %gather3A_304 = tpu.memref_squeeze %gather3A_303 : memref<1x32xf32, #tpu.memory_space<vmem>> -> memref<32xf32, #tpu.memory_space<vmem>>
            %gather3A_305 = tpu.vector_load_idx %gather3A_304[%max3A_300] : memref<32xf32, #tpu.memory_space<vmem>>[vector<16xi32>], vector<16xf32>,
            %ge3A_306 = arith.constant 99968 : i32
            %ge3A_307 = vector.broadcast %ge3A_306 : i32 to vector<16xi32>
            %ge3A_308 = arith.cmpi sge, %get3A_286, %ge3A_307 : vector<16xi32>
            %select_n3A_309 = arith.select %ge3A_308, %gather3A_305, %gather3A_294 : vector<16xi1>, vector<16xf32>
            %mul3A_310 = arith.constant 16 : i32
            %mul3A_311 = arith.muli %mul3A_310, %scan3A_250 : i32
            %swap3A_312 = arith.constant 1 : i32
            %swap3A_313 = arith.index_cast %swap3A_312 : i32 to index
            %swap3A_314 = arith.index_cast %mul3A_311 : i32 to index
            %swap3A_315 = tpu.vector_load %arg11[%swap3A_313, %swap3A_314] {strides = array<i32>} : memref<8x512xf32, #tpu.memory_space<vmem>>, vector<16xf32>,
            tpu.vector_store %arg11[%swap3A_313, %swap3A_314], %select_n3A_309 {strides = array<i32>} : memref<8x512xf32, #tpu.memory_space<vmem>>, vector<16xf32>,
            %mul3A_316 = arith.constant 16 : i32
            %mul3A_317 = arith.muli %mul3A_316, %scan3A_250 : i32
            %get3A_318 = arith.constant 2 : i32
            %get3A_319 = arith.index_cast %get3A_318 : i32 to index
            %get3A_320 = arith.index_cast %mul3A_317 : i32 to index
            %get3A_321 = tpu.vector_load %arg9[%get3A_319, %get3A_320] {strides = array<i32>} : memref<8x512xi32, #tpu.memory_space<vmem>>, vector<16xi32>,
            %min3A_322 = arith.constant 99967 : i32
            %min3A_323 = vector.broadcast %min3A_322 : i32 to vector<16xi32>
            %min3A_324 = arith.minsi %get3A_321, %min3A_323 : vector<16xi32>
            %gather3A_325 = arith.constant 0 : i32
            %gather3A_326 = arith.constant 0 : i32
            %gather3A_327 = tpu.memref_slice %arg7[%gather3A_325, %gather3A_326] : memref<1x99968xf32, #tpu.memory_space<vmem>> -> memref<1x99968xf32, #tpu.memory_space<vmem>>
            %gather3A_328 = tpu.memref_squeeze %gather3A_327 : memref<1x99968xf32, #tpu.memory_space<vmem>> -> memref<99968xf32, #tpu.memory_space<vmem>>
            %gather3A_329 = tpu.vector_load_idx %gather3A_328[%min3A_324] : memref<99968xf32, #tpu.memory_space<vmem>>[vector<16xi32>], vector<16xf32>,
            %sub3A_330 = arith.constant 99968 : i32
            %sub3A_331 = vector.broadcast %sub3A_330 : i32 to vector<16xi32>
            %sub3A_332 = arith.subi %get3A_321, %sub3A_331 : vector<16xi32>
            %max3A_333 = arith.constant 0 : i32
            %max3A_334 = vector.broadcast %max3A_333 : i32 to vector<16xi32>
            %max3A_335 = arith.maxsi %sub3A_332, %max3A_334 : vector<16xi32>
            %gather3A_336 = arith.constant 0 : i32
            %gather3A_337 = arith.constant 0 : i32
            %gather3A_338 = tpu.memref_slice %arg8[%gather3A_336, %gather3A_337] : memref<1x32xf32, #tpu.memory_space<vmem>> -> memref<1x32xf32, #tpu.memory_space<vmem>>
            %gather3A_339 = tpu.memref_squeeze %gather3A_338 : memref<1x32xf32, #tpu.memory_space<vmem>> -> memref<32xf32, #tpu.memory_space<vmem>>
            %gather3A_340 = tpu.vector_load_idx %gather3A_339[%max3A_335] : memref<32xf32, #tpu.memory_space<vmem>>[vector<16xi32>], vector<16xf32>,
            %ge3A_341 = arith.constant 99968 : i32
            %ge3A_342 = vector.broadcast %ge3A_341 : i32 to vector<16xi32>
            %ge3A_343 = arith.cmpi sge, %get3A_321, %ge3A_342 : vector<16xi32>
            %select_n3A_344 = arith.select %ge3A_343, %gather3A_340, %gather3A_329 : vector<16xi1>, vector<16xf32>
            %mul3A_345 = arith.constant 16 : i32
            %mul3A_346 = arith.muli %mul3A_345, %scan3A_250 : i32
            %swap3A_347 = arith.constant 2 : i32
            %swap3A_348 = arith.index_cast %swap3A_347 : i32 to index
            %swap3A_349 = arith.index_cast %mul3A_346 : i32 to index
            %swap3A_350 = tpu.vector_load %arg11[%swap3A_348, %swap3A_349] {strides = array<i32>} : memref<8x512xf32, #tpu.memory_space<vmem>>, vector<16xf32>,
            tpu.vector_store %arg11[%swap3A_348, %swap3A_349], %select_n3A_344 {strides = array<i32>} : memref<8x512xf32, #tpu.memory_space<vmem>>, vector<16xf32>,
            %mul3A_351 = arith.constant 16 : i32
            %mul3A_352 = arith.muli %mul3A_351, %scan3A_250 : i32
            %get3A_353 = arith.constant 3 : i32
            %get3A_354 = arith.index_cast %get3A_353 : i32 to index
            %get3A_355 = arith.index_cast %mul3A_352 : i32 to index
            %get3A_356 = tpu.vector_load %arg9[%get3A_354, %get3A_355] {strides = array<i32>} : memref<8x512xi32, #tpu.memory_space<vmem>>, vector<16xi32>,
            %min3A_357 = arith.constant 99967 : i32
            %min3A_358 = vector.broadcast %min3A_357 : i32 to vector<16xi32>
            %min3A_359 = arith.minsi %get3A_356, %min3A_358 : vector<16xi32>
            %gather3A_360 = arith.constant 0 : i32
            %gather3A_361 = arith.constant 0 : i32
            %gather3A_362 = tpu.memref_slice %arg7[%gather3A_360, %gather3A_361] : memref<1x99968xf32, #tpu.memory_space<vmem>> -> memref<1x99968xf32, #tpu.memory_space<vmem>>
            %gather3A_363 = tpu.memref_squeeze %gather3A_362 : memref<1x99968xf32, #tpu.memory_space<vmem>> -> memref<99968xf32, #tpu.memory_space<vmem>>
            %gather3A_364 = tpu.vector_load_idx %gather3A_363[%min3A_359] : memref<99968xf32, #tpu.memory_space<vmem>>[vector<16xi32>], vector<16xf32>,
            %sub3A_365 = arith.constant 99968 : i32
            %sub3A_366 = vector.broadcast %sub3A_365 : i32 to vector<16xi32>
            %sub3A_367 = arith.subi %get3A_356, %sub3A_366 : vector<16xi32>
            %max3A_368 = arith.constant 0 : i32
            %max3A_369 = vector.broadcast %max3A_368 : i32 to vector<16xi32>
            %max3A_370 = arith.maxsi %sub3A_367, %max3A_369 : vector<16xi32>
            %gather3A_371 = arith.constant 0 : i32
            %gather3A_372 = arith.constant 0 : i32
            %gather3A_373 = tpu.memref_slice %arg8[%gather3A_371, %gather3A_372] : memref<1x32xf32, #tpu.memory_space<vmem>> -> memref<1x32xf32, #tpu.memory_space<vmem>>
            %gather3A_374 = tpu.memref_squeeze %gather3A_373 : memref<1x32xf32, #tpu.memory_space<vmem>> -> memref<32xf32, #tpu.memory_space<vmem>>
            %gather3A_375 = tpu.vector_load_idx %gather3A_374[%max3A_370] : memref<32xf32, #tpu.memory_space<vmem>>[vector<16xi32>], vector<16xf32>,
            %ge3A_376 = arith.constant 99968 : i32
            %ge3A_377 = vector.broadcast %ge3A_376 : i32 to vector<16xi32>
            %ge3A_378 = arith.cmpi sge, %get3A_356, %ge3A_377 : vector<16xi32>
            %select_n3A_379 = arith.select %ge3A_378, %gather3A_375, %gather3A_364 : vector<16xi1>, vector<16xf32>
            %mul3A_380 = arith.constant 16 : i32
            %mul3A_381 = arith.muli %mul3A_380, %scan3A_250 : i32
            %swap3A_382 = arith.constant 3 : i32
            %swap3A_383 = arith.index_cast %swap3A_382 : i32 to index
            %swap3A_384 = arith.index_cast %mul3A_381 : i32 to index
            %swap3A_385 = tpu.vector_load %arg11[%swap3A_383, %swap3A_384] {strides = array<i32>} : memref<8x512xf32, #tpu.memory_space<vmem>>, vector<16xf32>,
            tpu.vector_store %arg11[%swap3A_383, %swap3A_384], %select_n3A_379 {strides = array<i32>} : memref<8x512xf32, #tpu.memory_space<vmem>>, vector<16xf32>,
            %mul3A_386 = arith.constant 16 : i32
            %mul3A_387 = arith.muli %mul3A_386, %scan3A_250 : i32
            %get3A_388 = arith.constant 4 : i32
            %get3A_389 = arith.index_cast %get3A_388 : i32 to index
            %get3A_390 = arith.index_cast %mul3A_387 : i32 to index
            %get3A_391 = tpu.vector_load %arg9[%get3A_389, %get3A_390] {strides = array<i32>} : memref<8x512xi32, #tpu.memory_space<vmem>>, vector<16xi32>,
            %min3A_392 = arith.constant 99967 : i32
            %min3A_393 = vector.broadcast %min3A_392 : i32 to vector<16xi32>
            %min3A_394 = arith.minsi %get3A_391, %min3A_393 : vector<16xi32>
            %gather3A_395 = arith.constant 0 : i32
            %gather3A_396 = arith.constant 0 : i32
            %gather3A_397 = tpu.memref_slice %arg7[%gather3A_395, %gather3A_396] : memref<1x99968xf32, #tpu.memory_space<vmem>> -> memref<1x99968xf32, #tpu.memory_space<vmem>>
            %gather3A_398 = tpu.memref_squeeze %gather3A_397 : memref<1x99968xf32, #tpu.memory_space<vmem>> -> memref<99968xf32, #tpu.memory_space<vmem>>
            %gather3A_399 = tpu.vector_load_idx %gather3A_398[%min3A_394] : memref<99968xf32, #tpu.memory_space<vmem>>[vector<16xi32>], vector<16xf32>,
            %sub3A_400 = arith.constant 99968 : i32
            %sub3A_401 = vector.broadcast %sub3A_400 : i32 to vector<16xi32>
            %sub3A_402 = arith.subi %get3A_391, %sub3A_401 : vector<16xi32>
            %max3A_403 = arith.constant 0 : i32
            %max3A_404 = vector.broadcast %max3A_403 : i32 to vector<16xi32>
            %max3A_405 = arith.maxsi %sub3A_402, %max3A_404 : vector<16xi32>
            %gather3A_406 = arith.constant 0 : i32
            %gather3A_407 = arith.constant 0 : i32
            %gather3A_408 = tpu.memref_slice %arg8[%gather3A_406, %gather3A_407] : memref<1x32xf32, #tpu.memory_space<vmem>> -> memref<1x32xf32, #tpu.memory_space<vmem>>
            %gather3A_409 = tpu.memref_squeeze %gather3A_408 : memref<1x32xf32, #tpu.memory_space<vmem>> -> memref<32xf32, #tpu.memory_space<vmem>>
            %gather3A_410 = tpu.vector_load_idx %gather3A_409[%max3A_405] : memref<32xf32, #tpu.memory_space<vmem>>[vector<16xi32>], vector<16xf32>,
            %ge3A_411 = arith.constant 99968 : i32
            %ge3A_412 = vector.broadcast %ge3A_411 : i32 to vector<16xi32>
            %ge3A_413 = arith.cmpi sge, %get3A_391, %ge3A_412 : vector<16xi32>
            %select_n3A_414 = arith.select %ge3A_413, %gather3A_410, %gather3A_399 : vector<16xi1>, vector<16xf32>
            %mul3A_415 = arith.constant 16 : i32
            %mul3A_416 = arith.muli %mul3A_415, %scan3A_250 : i32
            %swap3A_417 = arith.constant 4 : i32
            %swap3A_418 = arith.index_cast %swap3A_417 : i32 to index
            %swap3A_419 = arith.index_cast %mul3A_416 : i32 to index
            %swap3A_420 = tpu.vector_load %arg11[%swap3A_418, %swap3A_419] {strides = array<i32>} : memref<8x512xf32, #tpu.memory_space<vmem>>, vector<16xf32>,
            tpu.vector_store %arg11[%swap3A_418, %swap3A_419], %select_n3A_414 {strides = array<i32>} : memref<8x512xf32, #tpu.memory_space<vmem>>, vector<16xf32>,
            %mul3A_421 = arith.constant 16 : i32
            %mul3A_422 = arith.muli %mul3A_421, %scan3A_250 : i32
            %get3A_423 = arith.constant 5 : i32
            %get3A_424 = arith.index_cast %get3A_423 : i32 to index
            %get3A_425 = arith.index_cast %mul3A_422 : i32 to index
            %get3A_426 = tpu.vector_load %arg9[%get3A_424, %get3A_425] {strides = array<i32>} : memref<8x512xi32, #tpu.memory_space<vmem>>, vector<16xi32>,
            %min3A_427 = arith.constant 99967 : i32
            %min3A_428 = vector.broadcast %min3A_427 : i32 to vector<16xi32>
            %min3A_429 = arith.minsi %get3A_426, %min3A_428 : vector<16xi32>
            %gather3A_430 = arith.constant 0 : i32
            %gather3A_431 = arith.constant 0 : i32
            %gather3A_432 = tpu.memref_slice %arg7[%gather3A_430, %gather3A_431] : memref<1x99968xf32, #tpu.memory_space<vmem>> -> memref<1x99968xf32, #tpu.memory_space<vmem>>
            %gather3A_433 = tpu.memref_squeeze %gather3A_432 : memref<1x99968xf32, #tpu.memory_space<vmem>> -> memref<99968xf32, #tpu.memory_space<vmem>>
            %gather3A_434 = tpu.vector_load_idx %gather3A_433[%min3A_429] : memref<99968xf32, #tpu.memory_space<vmem>>[vector<16xi32>], vector<16xf32>,
            %sub3A_435 = arith.constant 99968 : i32
            %sub3A_436 = vector.broadcast %sub3A_435 : i32 to vector<16xi32>
            %sub3A_437 = arith.subi %get3A_426, %sub3A_436 : vector<16xi32>
            %max3A_438 = arith.constant 0 : i32
            %max3A_439 = vector.broadcast %max3A_438 : i32 to vector<16xi32>
            %max3A_440 = arith.maxsi %sub3A_437, %max3A_439 : vector<16xi32>
            %gather3A_441 = arith.constant 0 : i32
            %gather3A_442 = arith.constant 0 : i32
            %gather3A_443 = tpu.memref_slice %arg8[%gather3A_441, %gather3A_442] : memref<1x32xf32, #tpu.memory_space<vmem>> -> memref<1x32xf32, #tpu.memory_space<vmem>>
            %gather3A_444 = tpu.memref_squeeze %gather3A_443 : memref<1x32xf32, #tpu.memory_space<vmem>> -> memref<32xf32, #tpu.memory_space<vmem>>
            %gather3A_445 = tpu.vector_load_idx %gather3A_444[%max3A_440] : memref<32xf32, #tpu.memory_space<vmem>>[vector<16xi32>], vector<16xf32>,
            %ge3A_446 = arith.constant 99968 : i32
            %ge3A_447 = vector.broadcast %ge3A_446 : i32 to vector<16xi32>
            %ge3A_448 = arith.cmpi sge, %get3A_426, %ge3A_447 : vector<16xi32>
            %select_n3A_449 = arith.select %ge3A_448, %gather3A_445, %gather3A_434 : vector<16xi1>, vector<16xf32>
            %mul3A_450 = arith.constant 16 : i32
            %mul3A_451 = arith.muli %mul3A_450, %scan3A_250 : i32
            %swap3A_452 = arith.constant 5 : i32
            %swap3A_453 = arith.index_cast %swap3A_452 : i32 to index
            %swap3A_454 = arith.index_cast %mul3A_451 : i32 to index
            %swap3A_455 = tpu.vector_load %arg11[%swap3A_453, %swap3A_454] {strides = array<i32>} : memref<8x512xf32, #tpu.memory_space<vmem>>, vector<16xf32>,
            tpu.vector_store %arg11[%swap3A_453, %swap3A_454], %select_n3A_449 {strides = array<i32>} : memref<8x512xf32, #tpu.memory_space<vmem>>, vector<16xf32>,
            %mul3A_456 = arith.constant 16 : i32
            %mul3A_457 = arith.muli %mul3A_456, %scan3A_250 : i32
            %get3A_458 = arith.constant 6 : i32
            %get3A_459 = arith.index_cast %get3A_458 : i32 to index
            %get3A_460 = arith.index_cast %mul3A_457 : i32 to index
            %get3A_461 = tpu.vector_load %arg9[%get3A_459, %get3A_460] {strides = array<i32>} : memref<8x512xi32, #tpu.memory_space<vmem>>, vector<16xi32>,
            %min3A_462 = arith.constant 99967 : i32
            %min3A_463 = vector.broadcast %min3A_462 : i32 to vector<16xi32>
            %min3A_464 = arith.minsi %get3A_461, %min3A_463 : vector<16xi32>
            %gather3A_465 = arith.constant 0 : i32
            %gather3A_466 = arith.constant 0 : i32
            %gather3A_467 = tpu.memref_slice %arg7[%gather3A_465, %gather3A_466] : memref<1x99968xf32, #tpu.memory_space<vmem>> -> memref<1x99968xf32, #tpu.memory_space<vmem>>
            %gather3A_468 = tpu.memref_squeeze %gather3A_467 : memref<1x99968xf32, #tpu.memory_space<vmem>> -> memref<99968xf32, #tpu.memory_space<vmem>>
            %gather3A_469 = tpu.vector_load_idx %gather3A_468[%min3A_464] : memref<99968xf32, #tpu.memory_space<vmem>>[vector<16xi32>], vector<16xf32>,
            %sub3A_470 = arith.constant 99968 : i32
            %sub3A_471 = vector.broadcast %sub3A_470 : i32 to vector<16xi32>
            %sub3A_472 = arith.subi %get3A_461, %sub3A_471 : vector<16xi32>
            %max3A_473 = arith.constant 0 : i32
            %max3A_474 = vector.broadcast %max3A_473 : i32 to vector<16xi32>
            %max3A_475 = arith.maxsi %sub3A_472, %max3A_474 : vector<16xi32>
            %gather3A_476 = arith.constant 0 : i32
            %gather3A_477 = arith.constant 0 : i32
            %gather3A_478 = tpu.memref_slice %arg8[%gather3A_476, %gather3A_477] : memref<1x32xf32, #tpu.memory_space<vmem>> -> memref<1x32xf32, #tpu.memory_space<vmem>>
            %gather3A_479 = tpu.memref_squeeze %gather3A_478 : memref<1x32xf32, #tpu.memory_space<vmem>> -> memref<32xf32, #tpu.memory_space<vmem>>
            %gather3A_480 = tpu.vector_load_idx %gather3A_479[%max3A_475] : memref<32xf32, #tpu.memory_space<vmem>>[vector<16xi32>], vector<16xf32>,
            %ge3A_481 = arith.constant 99968 : i32
            %ge3A_482 = vector.broadcast %ge3A_481 : i32 to vector<16xi32>
            %ge3A_483 = arith.cmpi sge, %get3A_461, %ge3A_482 : vector<16xi32>
            %select_n3A_484 = arith.select %ge3A_483, %gather3A_480, %gather3A_469 : vector<16xi1>, vector<16xf32>
            %mul3A_485 = arith.constant 16 : i32
            %mul3A_486 = arith.muli %mul3A_485, %scan3A_250 : i32
            %swap3A_487 = arith.constant 6 : i32
            %swap3A_488 = arith.index_cast %swap3A_487 : i32 to index
            %swap3A_489 = arith.index_cast %mul3A_486 : i32 to index
            %swap3A_490 = tpu.vector_load %arg11[%swap3A_488, %swap3A_489] {strides = array<i32>} : memref<8x512xf32, #tpu.memory_space<vmem>>, vector<16xf32>,
            tpu.vector_store %arg11[%swap3A_488, %swap3A_489], %select_n3A_484 {strides = array<i32>} : memref<8x512xf32, #tpu.memory_space<vmem>>, vector<16xf32>,
            %mul3A_491 = arith.constant 16 : i32
            %mul3A_492 = arith.muli %mul3A_491, %scan3A_250 : i32
            %get3A_493 = arith.constant 7 : i32
            %get3A_494 = arith.index_cast %get3A_493 : i32 to index
            %get3A_495 = arith.index_cast %mul3A_492 : i32 to index
            %get3A_496 = tpu.vector_load %arg9[%get3A_494, %get3A_495] {strides = array<i32>} : memref<8x512xi32, #tpu.memory_space<vmem>>, vector<16xi32>,
            %min3A_497 = arith.constant 99967 : i32
            %min3A_498 = vector.broadcast %min3A_497 : i32 to vector<16xi32>
            %min3A_499 = arith.minsi %get3A_496, %min3A_498 : vector<16xi32>
            %gather3A_500 = arith.constant 0 : i32
            %gather3A_501 = arith.constant 0 : i32
            %gather3A_502 = tpu.memref_slice %arg7[%gather3A_500, %gather3A_501] : memref<1x99968xf32, #tpu.memory_space<vmem>> -> memref<1x99968xf32, #tpu.memory_space<vmem>>
            %gather3A_503 = tpu.memref_squeeze %gather3A_502 : memref<1x99968xf32, #tpu.memory_space<vmem>> -> memref<99968xf32, #tpu.memory_space<vmem>>
            %gather3A_504 = tpu.vector_load_idx %gather3A_503[%min3A_499] : memref<99968xf32, #tpu.memory_space<vmem>>[vector<16xi32>], vector<16xf32>,
            %sub3A_505 = arith.constant 99968 : i32
            %sub3A_506 = vector.broadcast %sub3A_505 : i32 to vector<16xi32>
            %sub3A_507 = arith.subi %get3A_496, %sub3A_506 : vector<16xi32>
            %max3A_508 = arith.constant 0 : i32
            %max3A_509 = vector.broadcast %max3A_508 : i32 to vector<16xi32>
            %max3A_510 = arith.maxsi %sub3A_507, %max3A_509 : vector<16xi32>
            %gather3A_511 = arith.constant 0 : i32
            %gather3A_512 = arith.constant 0 : i32
            %gather3A_513 = tpu.memref_slice %arg8[%gather3A_511, %gather3A_512] : memref<1x32xf32, #tpu.memory_space<vmem>> -> memref<1x32xf32, #tpu.memory_space<vmem>>
            %gather3A_514 = tpu.memref_squeeze %gather3A_513 : memref<1x32xf32, #tpu.memory_space<vmem>> -> memref<32xf32, #tpu.memory_space<vmem>>
            %gather3A_515 = tpu.vector_load_idx %gather3A_514[%max3A_510] : memref<32xf32, #tpu.memory_space<vmem>>[vector<16xi32>], vector<16xf32>,
            %ge3A_516 = arith.constant 99968 : i32
            %ge3A_517 = vector.broadcast %ge3A_516 : i32 to vector<16xi32>
            %ge3A_518 = arith.cmpi sge, %get3A_496, %ge3A_517 : vector<16xi32>
            %select_n3A_519 = arith.select %ge3A_518, %gather3A_515, %gather3A_504 : vector<16xi1>, vector<16xf32>
            %mul3A_520 = arith.constant 16 : i32
            %mul3A_521 = arith.muli %mul3A_520, %scan3A_250 : i32
            %swap3A_522 = arith.constant 7 : i32
            %swap3A_523 = arith.index_cast %swap3A_522 : i32 to index
            %swap3A_524 = arith.index_cast %mul3A_521 : i32 to index
            %swap3A_525 = tpu.vector_load %arg11[%swap3A_523, %swap3A_524] {strides = array<i32>} : memref<8x512xf32, #tpu.memory_space<vmem>>, vector<16xf32>,
            tpu.vector_store %arg11[%swap3A_523, %swap3A_524], %select_n3A_519 {strides = array<i32>} : memref<8x512xf32, #tpu.memory_space<vmem>>, vector<16xf32>,
          }
          %scan3A_130 = arith.constant 32 : i32
          %jit3A_131 = arith.constant 8 : i32
          %div3A_132 = arith.divsi %mul3A_37, %jit3A_131 : i32
          %sign3A_133 = arith.constant 0 : i32
          %sign3A_134 = arith.cmpi sgt, %mul3A_37, %sign3A_133 : i32
          %sign3A_135 = arith.extui %sign3A_134 : i1 to i32
          %sign3A_136 = arith.constant 0 : i32
          %sign3A_137 = arith.cmpi slt, %mul3A_37, %sign3A_136 : i32
          %sign3A_138 = arith.extui %sign3A_137 : i1 to i32
          %sign3A_139 = arith.subi %sign3A_135, %sign3A_138 : i32
          %sign3A_140 = arith.constant 0 : i32
          %sign3A_141 = arith.cmpi sgt, %jit3A_131, %sign3A_140 : i32
          %sign3A_142 = arith.extui %sign3A_141 : i1 to i32
          %sign3A_143 = arith.constant 0 : i32
          %sign3A_144 = arith.cmpi slt, %jit3A_131, %sign3A_143 : i32
          %sign3A_145 = arith.extui %sign3A_144 : i1 to i32
          %sign3A_146 = arith.subi %sign3A_142, %sign3A_145 : i32
          %ne3A_147 = arith.cmpi ne, %sign3A_139, %sign3A_146 : i32
          %rem3A_148 = arith.remsi %mul3A_37, %jit3A_131 : i32
          %ne3A_149 = arith.constant 0 : i32
          %ne3A_150 = arith.cmpi ne, %rem3A_148, %ne3A_149 : i32
          %and3A_151 = arith.andi %ne3A_147, %ne3A_150 : i1
          %sub3A_152 = arith.constant 1 : i32
          %sub3A_153 = arith.subi %div3A_132, %sub3A_152 : i32
          %select_n3A_154 = arith.select %and3A_151, %sub3A_153, %div3A_132 : i32
          %mul3A_155 = arith.constant 8 : i32
          %mul3A_156 = arith.muli %select_n3A_154, %mul3A_155 : i32
          %jit3A_157 = arith.constant 8 : i32
          %eq3A_158 = arith.constant 0 : i32
          %eq3A_159 = arith.cmpi eq, %jit3A_157, %eq3A_158 : i32
          %jit3A_160 = arith.constant 1 : i32
          %select_n3A_161 = arith.select %eq3A_159, %jit3A_160, %jit3A_157 : i32
          %rem3A_162 = arith.remsi %mul3A_37, %select_n3A_161 : i32
          %ne3A_163 = arith.constant 0 : i32
          %ne3A_164 = arith.cmpi ne, %rem3A_162, %ne3A_163 : i32
          %lt3A_165 = arith.constant 0 : i32
          %lt3A_166 = arith.cmpi slt, %rem3A_162, %lt3A_165 : i32
          %lt3A_167 = arith.constant 0 : i32
          %lt3A_168 = arith.cmpi slt, %select_n3A_161, %lt3A_167 : i32
          %ne3A_169 = arith.xori %lt3A_166, %lt3A_168 : i1
          %and3A_170 = arith.andi %ne3A_169, %ne3A_164 : i1
          %add3A_171 = arith.addi %rem3A_162, %select_n3A_161 : i32
          %select_n3A_172 = arith.select %and3A_170, %add3A_171, %rem3A_162 : i32
          %mul3A_173 = arith.constant 512 : i32
          %mul3A_174 = arith.muli %select_n3A_172, %mul3A_173 : i32
          %dma_start3A_175 = tpu.memref_slice %arg6[%add3A_18, %mul3A_156, %mul3A_174] : memref<300x200x4096xf32, #tpu.memory_space<hbm>> -> memref<1x8x512xf32, #tpu.memory_space<hbm>>
          %dma_start3A_176 = tpu.memref_squeeze %dma_start3A_175 : memref<1x8x512xf32, #tpu.memory_space<hbm>> -> memref<8x512xf32, #tpu.memory_space<hbm>>
          %dma_start3A_177 = tpu.memref_slice %arg6[%add3A_18, %mul3A_156, %mul3A_174] : memref<300x200x4096xf32, #tpu.memory_space<hbm>> -> memref<1x8x512xf32, #tpu.memory_space<hbm>>
          %dma_start3A_178 = tpu.memref_squeeze %dma_start3A_177 : memref<1x8x512xf32, #tpu.memory_space<hbm>> -> memref<8x512xf32, #tpu.memory_space<hbm>>
          tpu.enqueue_dma source(%arg11 : memref<8x512xf32, #tpu.memory_space<vmem>>) target(%dma_start3A_178 : memref<8x512xf32, #tpu.memory_space<hbm>>) target_semaphore(%arg17 : memref<!tpu.dma_semaphore, #tpu.memory_space<semaphore_mem>>)
          %add3A_179 = arith.constant 1 : i32
          %add3A_180 = arith.addi %scan3A_35, %add3A_179 : i32
          %lt3A_181 = arith.constant 100 : i32
          %lt3A_182 = arith.cmpi slt, %add3A_180, %lt3A_181 : i32
          %convert_element_type3A_183 = arith.extui %lt3A_182 : i1 to i32
          %cond3A_184 = arith.constant 0 : i32
          %cond3A_185 = arith.cmpi ne, %convert_element_type3A_183, %cond3A_184 : i32
          scf.if %cond3A_185 {
            %add3A_250 = arith.constant 2 : i32
            %add3A_251 = arith.addi %mul3A_37, %add3A_250 : i32
            %jit3A_252 = arith.constant 8 : i32
            %div3A_253 = arith.divsi %add3A_251, %jit3A_252 : i32
            %sign3A_254 = arith.constant 0 : i32
            %sign3A_255 = arith.cmpi sgt, %add3A_251, %sign3A_254 : i32
            %sign3A_256 = arith.extui %sign3A_255 : i1 to i32
            %sign3A_257 = arith.constant 0 : i32
            %sign3A_258 = arith.cmpi slt, %add3A_251, %sign3A_257 : i32
            %sign3A_259 = arith.extui %sign3A_258 : i1 to i32
            %sign3A_260 = arith.subi %sign3A_256, %sign3A_259 : i32
            %sign3A_261 = arith.constant 0 : i32
            %sign3A_262 = arith.cmpi sgt, %jit3A_252, %sign3A_261 : i32
            %sign3A_263 = arith.extui %sign3A_262 : i1 to i32
            %sign3A_264 = arith.constant 0 : i32
            %sign3A_265 = arith.cmpi slt, %jit3A_252, %sign3A_264 : i32
            %sign3A_266 = arith.extui %sign3A_265 : i1 to i32
            %sign3A_267 = arith.subi %sign3A_263, %sign3A_266 : i32
            %ne3A_268 = arith.cmpi ne, %sign3A_260, %sign3A_267 : i32
            %rem3A_269 = arith.remsi %add3A_251, %jit3A_252 : i32
            %ne3A_270 = arith.constant 0 : i32
            %ne3A_271 = arith.cmpi ne, %rem3A_269, %ne3A_270 : i32
            %and3A_272 = arith.andi %ne3A_268, %ne3A_271 : i1
            %sub3A_273 = arith.constant 1 : i32
            %sub3A_274 = arith.subi %div3A_253, %sub3A_273 : i32
            %select_n3A_275 = arith.select %and3A_272, %sub3A_274, %div3A_253 : i32
            %mul3A_276 = arith.constant 8 : i32
            %mul3A_277 = arith.muli %select_n3A_275, %mul3A_276 : i32
            %jit3A_278 = arith.constant 8 : i32
            %eq3A_279 = arith.constant 0 : i32
            %eq3A_280 = arith.cmpi eq, %jit3A_278, %eq3A_279 : i32
            %jit3A_281 = arith.constant 1 : i32
            %select_n3A_282 = arith.select %eq3A_280, %jit3A_281, %jit3A_278 : i32
            %rem3A_283 = arith.remsi %add3A_251, %select_n3A_282 : i32
            %ne3A_284 = arith.constant 0 : i32
            %ne3A_285 = arith.cmpi ne, %rem3A_283, %ne3A_284 : i32
            %lt3A_286 = arith.constant 0 : i32
            %lt3A_287 = arith.cmpi slt, %rem3A_283, %lt3A_286 : i32
            %lt3A_288 = arith.constant 0 : i32
            %lt3A_289 = arith.cmpi slt, %select_n3A_282, %lt3A_288 : i32
            %ne3A_290 = arith.xori %lt3A_287, %lt3A_289 : i1
            %and3A_291 = arith.andi %ne3A_290, %ne3A_285 : i1
            %add3A_292 = arith.addi %rem3A_283, %select_n3A_282 : i32
            %select_n3A_293 = arith.select %and3A_291, %add3A_292, %rem3A_283 : i32
            %mul3A_294 = arith.constant 512 : i32
            %mul3A_295 = arith.muli %select_n3A_293, %mul3A_294 : i32
            %dma_start3A_296 = tpu.memref_slice %arg2[%mul3A_277, %mul3A_295] : memref<200x4096xi32, #tpu.memory_space<hbm>> -> memref<8x512xi32, #tpu.memory_space<hbm>>
            %dma_start3A_297 = tpu.memref_slice %arg2[%mul3A_277, %mul3A_295] : memref<200x4096xi32, #tpu.memory_space<hbm>> -> memref<8x512xi32, #tpu.memory_space<hbm>>
            tpu.enqueue_dma source(%dma_start3A_297 : memref<8x512xi32, #tpu.memory_space<hbm>>) target(%arg9 : memref<8x512xi32, #tpu.memory_space<vmem>>) target_semaphore(%arg15 : memref<!tpu.dma_semaphore, #tpu.memory_space<semaphore_mem>>)
          } else {
          }
          %dma_wait3A_186 = tpu.memref_slice %arg2[%mul3A_59, %mul3A_76] : memref<200x4096xi32, #tpu.memory_space<hbm>> -> memref<8x512xi32, #tpu.memory_space<hbm>>
          %dma_wait3A_187 = tpu.memref_slice %arg2[%mul3A_59, %mul3A_76] : memref<200x4096xi32, #tpu.memory_space<hbm>> -> memref<8x512xi32, #tpu.memory_space<hbm>>
          tpu.wait_dma2 semaphore(%arg16 : memref<!tpu.dma_semaphore, #tpu.memory_space<semaphore_mem>>) src(%dma_wait3A_187 : memref<8x512xi32, #tpu.memory_space<hbm>>) dst(%arg10 : memref<8x512xi32, #tpu.memory_space<vmem>>)
          %scan3A_188 = arith.constant 0 : i32
          %scan3A_189 = arith.constant 0 : i32
          %scan3A_190 = arith.constant 32 : i32
          %scan3A_191 = arith.addi %scan3A_189, %scan3A_190 : i32
          %scan3A_192 = arith.constant 1 : i32
          scf.for %scan3A_250 = %scan3A_189 to %scan3A_191 step %scan3A_192  : i32 {
            %mul3A_251 = arith.constant 16 : i32
            %mul3A_252 = arith.muli %mul3A_251, %scan3A_250 : i32
            %get3A = arith.constant 0 : i32
            %get3A_253 = arith.index_cast %get3A : i32 to index
            %get3A_254 = arith.index_cast %mul3A_252 : i32 to index
            %get3A_255 = tpu.vector_load %arg10[%get3A_253, %get3A_254] {strides = array<i32>} : memref<8x512xi32, #tpu.memory_space<vmem>>, vector<16xi32>,
            %min3A_256 = arith.constant 99967 : i32
            %min3A_257 = vector.broadcast %min3A_256 : i32 to vector<16xi32>
            %min3A_258 = arith.minsi %get3A_255, %min3A_257 : vector<16xi32>
            %gather3A = arith.constant 0 : i32
            %gather3A_259 = arith.constant 0 : i32
            %gather3A_260 = tpu.memref_slice %arg7[%gather3A, %gather3A_259] : memref<1x99968xf32, #tpu.memory_space<vmem>> -> memref<1x99968xf32, #tpu.memory_space<vmem>>
            %gather3A_261 = tpu.memref_squeeze %gather3A_260 : memref<1x99968xf32, #tpu.memory_space<vmem>> -> memref<99968xf32, #tpu.memory_space<vmem>>
            %gather3A_262 = tpu.vector_load_idx %gather3A_261[%min3A_258] : memref<99968xf32, #tpu.memory_space<vmem>>[vector<16xi32>], vector<16xf32>,
            %sub3A_263 = arith.constant 99968 : i32
            %sub3A_264 = vector.broadcast %sub3A_263 : i32 to vector<16xi32>
            %sub3A_265 = arith.subi %get3A_255, %sub3A_264 : vector<16xi32>
            %max3A = arith.constant 0 : i32
            %max3A_266 = vector.broadcast %max3A : i32 to vector<16xi32>
            %max3A_267 = arith.maxsi %sub3A_265, %max3A_266 : vector<16xi32>
            %gather3A_268 = arith.constant 0 : i32
            %gather3A_269 = arith.constant 0 : i32
            %gather3A_270 = tpu.memref_slice %arg8[%gather3A_268, %gather3A_269] : memref<1x32xf32, #tpu.memory_space<vmem>> -> memref<1x32xf32, #tpu.memory_space<vmem>>
            %gather3A_271 = tpu.memref_squeeze %gather3A_270 : memref<1x32xf32, #tpu.memory_space<vmem>> -> memref<32xf32, #tpu.memory_space<vmem>>
            %gather3A_272 = tpu.vector_load_idx %gather3A_271[%max3A_267] : memref<32xf32, #tpu.memory_space<vmem>>[vector<16xi32>], vector<16xf32>,
            %ge3A = arith.constant 99968 : i32
            %ge3A_273 = vector.broadcast %ge3A : i32 to vector<16xi32>
            %ge3A_274 = arith.cmpi sge, %get3A_255, %ge3A_273 : vector<16xi32>
            %select_n3A_275 = arith.select %ge3A_274, %gather3A_272, %gather3A_262 : vector<16xi1>, vector<16xf32>
            %mul3A_276 = arith.constant 16 : i32
            %mul3A_277 = arith.muli %mul3A_276, %scan3A_250 : i32
            %swap3A = arith.constant 0 : i32
            %swap3A_278 = arith.index_cast %swap3A : i32 to index
            %swap3A_279 = arith.index_cast %mul3A_277 : i32 to index
            %swap3A_280 = tpu.vector_load %arg12[%swap3A_278, %swap3A_279] {strides = array<i32>} : memref<8x512xf32, #tpu.memory_space<vmem>>, vector<16xf32>,
            tpu.vector_store %arg12[%swap3A_278, %swap3A_279], %select_n3A_275 {strides = array<i32>} : memref<8x512xf32, #tpu.memory_space<vmem>>, vector<16xf32>,
            %mul3A_281 = arith.constant 16 : i32
            %mul3A_282 = arith.muli %mul3A_281, %scan3A_250 : i32
            %get3A_283 = arith.constant 1 : i32
            %get3A_284 = arith.index_cast %get3A_283 : i32 to index
            %get3A_285 = arith.index_cast %mul3A_282 : i32 to index
            %get3A_286 = tpu.vector_load %arg10[%get3A_284, %get3A_285] {strides = array<i32>} : memref<8x512xi32, #tpu.memory_space<vmem>>, vector<16xi32>,
            %min3A_287 = arith.constant 99967 : i32
            %min3A_288 = vector.broadcast %min3A_287 : i32 to vector<16xi32>
            %min3A_289 = arith.minsi %get3A_286, %min3A_288 : vector<16xi32>
            %gather3A_290 = arith.constant 0 : i32
            %gather3A_291 = arith.constant 0 : i32
            %gather3A_292 = tpu.memref_slice %arg7[%gather3A_290, %gather3A_291] : memref<1x99968xf32, #tpu.memory_space<vmem>> -> memref<1x99968xf32, #tpu.memory_space<vmem>>
            %gather3A_293 = tpu.memref_squeeze %gather3A_292 : memref<1x99968xf32, #tpu.memory_space<vmem>> -> memref<99968xf32, #tpu.memory_space<vmem>>
            %gather3A_294 = tpu.vector_load_idx %gather3A_293[%min3A_289] : memref<99968xf32, #tpu.memory_space<vmem>>[vector<16xi32>], vector<16xf32>,
            %sub3A_295 = arith.constant 99968 : i32
            %sub3A_296 = vector.broadcast %sub3A_295 : i32 to vector<16xi32>
            %sub3A_297 = arith.subi %get3A_286, %sub3A_296 : vector<16xi32>
            %max3A_298 = arith.constant 0 : i32
            %max3A_299 = vector.broadcast %max3A_298 : i32 to vector<16xi32>
            %max3A_300 = arith.maxsi %sub3A_297, %max3A_299 : vector<16xi32>
            %gather3A_301 = arith.constant 0 : i32
            %gather3A_302 = arith.constant 0 : i32
            %gather3A_303 = tpu.memref_slice %arg8[%gather3A_301, %gather3A_302] : memref<1x32xf32, #tpu.memory_space<vmem>> -> memref<1x32xf32, #tpu.memory_space<vmem>>
            %gather3A_304 = tpu.memref_squeeze %gather3A_303 : memref<1x32xf32, #tpu.memory_space<vmem>> -> memref<32xf32, #tpu.memory_space<vmem>>
            %gather3A_305 = tpu.vector_load_idx %gather3A_304[%max3A_300] : memref<32xf32, #tpu.memory_space<vmem>>[vector<16xi32>], vector<16xf32>,
            %ge3A_306 = arith.constant 99968 : i32
            %ge3A_307 = vector.broadcast %ge3A_306 : i32 to vector<16xi32>
            %ge3A_308 = arith.cmpi sge, %get3A_286, %ge3A_307 : vector<16xi32>
            %select_n3A_309 = arith.select %ge3A_308, %gather3A_305, %gather3A_294 : vector<16xi1>, vector<16xf32>
            %mul3A_310 = arith.constant 16 : i32
            %mul3A_311 = arith.muli %mul3A_310, %scan3A_250 : i32
            %swap3A_312 = arith.constant 1 : i32
            %swap3A_313 = arith.index_cast %swap3A_312 : i32 to index
            %swap3A_314 = arith.index_cast %mul3A_311 : i32 to index
            %swap3A_315 = tpu.vector_load %arg12[%swap3A_313, %swap3A_314] {strides = array<i32>} : memref<8x512xf32, #tpu.memory_space<vmem>>, vector<16xf32>,
            tpu.vector_store %arg12[%swap3A_313, %swap3A_314], %select_n3A_309 {strides = array<i32>} : memref<8x512xf32, #tpu.memory_space<vmem>>, vector<16xf32>,
            %mul3A_316 = arith.constant 16 : i32
            %mul3A_317 = arith.muli %mul3A_316, %scan3A_250 : i32
            %get3A_318 = arith.constant 2 : i32
            %get3A_319 = arith.index_cast %get3A_318 : i32 to index
            %get3A_320 = arith.index_cast %mul3A_317 : i32 to index
            %get3A_321 = tpu.vector_load %arg10[%get3A_319, %get3A_320] {strides = array<i32>} : memref<8x512xi32, #tpu.memory_space<vmem>>, vector<16xi32>,
            %min3A_322 = arith.constant 99967 : i32
            %min3A_323 = vector.broadcast %min3A_322 : i32 to vector<16xi32>
            %min3A_324 = arith.minsi %get3A_321, %min3A_323 : vector<16xi32>
            %gather3A_325 = arith.constant 0 : i32
            %gather3A_326 = arith.constant 0 : i32
            %gather3A_327 = tpu.memref_slice %arg7[%gather3A_325, %gather3A_326] : memref<1x99968xf32, #tpu.memory_space<vmem>> -> memref<1x99968xf32, #tpu.memory_space<vmem>>
            %gather3A_328 = tpu.memref_squeeze %gather3A_327 : memref<1x99968xf32, #tpu.memory_space<vmem>> -> memref<99968xf32, #tpu.memory_space<vmem>>
            %gather3A_329 = tpu.vector_load_idx %gather3A_328[%min3A_324] : memref<99968xf32, #tpu.memory_space<vmem>>[vector<16xi32>], vector<16xf32>,
            %sub3A_330 = arith.constant 99968 : i32
            %sub3A_331 = vector.broadcast %sub3A_330 : i32 to vector<16xi32>
            %sub3A_332 = arith.subi %get3A_321, %sub3A_331 : vector<16xi32>
            %max3A_333 = arith.constant 0 : i32
            %max3A_334 = vector.broadcast %max3A_333 : i32 to vector<16xi32>
            %max3A_335 = arith.maxsi %sub3A_332, %max3A_334 : vector<16xi32>
            %gather3A_336 = arith.constant 0 : i32
            %gather3A_337 = arith.constant 0 : i32
            %gather3A_338 = tpu.memref_slice %arg8[%gather3A_336, %gather3A_337] : memref<1x32xf32, #tpu.memory_space<vmem>> -> memref<1x32xf32, #tpu.memory_space<vmem>>
            %gather3A_339 = tpu.memref_squeeze %gather3A_338 : memref<1x32xf32, #tpu.memory_space<vmem>> -> memref<32xf32, #tpu.memory_space<vmem>>
            %gather3A_340 = tpu.vector_load_idx %gather3A_339[%max3A_335] : memref<32xf32, #tpu.memory_space<vmem>>[vector<16xi32>], vector<16xf32>,
            %ge3A_341 = arith.constant 99968 : i32
            %ge3A_342 = vector.broadcast %ge3A_341 : i32 to vector<16xi32>
            %ge3A_343 = arith.cmpi sge, %get3A_321, %ge3A_342 : vector<16xi32>
            %select_n3A_344 = arith.select %ge3A_343, %gather3A_340, %gather3A_329 : vector<16xi1>, vector<16xf32>
            %mul3A_345 = arith.constant 16 : i32
            %mul3A_346 = arith.muli %mul3A_345, %scan3A_250 : i32
            %swap3A_347 = arith.constant 2 : i32
            %swap3A_348 = arith.index_cast %swap3A_347 : i32 to index
            %swap3A_349 = arith.index_cast %mul3A_346 : i32 to index
            %swap3A_350 = tpu.vector_load %arg12[%swap3A_348, %swap3A_349] {strides = array<i32>} : memref<8x512xf32, #tpu.memory_space<vmem>>, vector<16xf32>,
            tpu.vector_store %arg12[%swap3A_348, %swap3A_349], %select_n3A_344 {strides = array<i32>} : memref<8x512xf32, #tpu.memory_space<vmem>>, vector<16xf32>,
            %mul3A_351 = arith.constant 16 : i32
            %mul3A_352 = arith.muli %mul3A_351, %scan3A_250 : i32
            %get3A_353 = arith.constant 3 : i32
            %get3A_354 = arith.index_cast %get3A_353 : i32 to index
            %get3A_355 = arith.index_cast %mul3A_352 : i32 to index
            %get3A_356 = tpu.vector_load %arg10[%get3A_354, %get3A_355] {strides = array<i32>} : memref<8x512xi32, #tpu.memory_space<vmem>>, vector<16xi32>,
            %min3A_357 = arith.constant 99967 : i32
            %min3A_358 = vector.broadcast %min3A_357 : i32 to vector<16xi32>
            %min3A_359 = arith.minsi %get3A_356, %min3A_358 : vector<16xi32>
            %gather3A_360 = arith.constant 0 : i32
            %gather3A_361 = arith.constant 0 : i32
            %gather3A_362 = tpu.memref_slice %arg7[%gather3A_360, %gather3A_361] : memref<1x99968xf32, #tpu.memory_space<vmem>> -> memref<1x99968xf32, #tpu.memory_space<vmem>>
            %gather3A_363 = tpu.memref_squeeze %gather3A_362 : memref<1x99968xf32, #tpu.memory_space<vmem>> -> memref<99968xf32, #tpu.memory_space<vmem>>
            %gather3A_364 = tpu.vector_load_idx %gather3A_363[%min3A_359] : memref<99968xf32, #tpu.memory_space<vmem>>[vector<16xi32>], vector<16xf32>,
            %sub3A_365 = arith.constant 99968 : i32
            %sub3A_366 = vector.broadcast %sub3A_365 : i32 to vector<16xi32>
            %sub3A_367 = arith.subi %get3A_356, %sub3A_366 : vector<16xi32>
            %max3A_368 = arith.constant 0 : i32
            %max3A_369 = vector.broadcast %max3A_368 : i32 to vector<16xi32>
            %max3A_370 = arith.maxsi %sub3A_367, %max3A_369 : vector<16xi32>
            %gather3A_371 = arith.constant 0 : i32
            %gather3A_372 = arith.constant 0 : i32
            %gather3A_373 = tpu.memref_slice %arg8[%gather3A_371, %gather3A_372] : memref<1x32xf32, #tpu.memory_space<vmem>> -> memref<1x32xf32, #tpu.memory_space<vmem>>
            %gather3A_374 = tpu.memref_squeeze %gather3A_373 : memref<1x32xf32, #tpu.memory_space<vmem>> -> memref<32xf32, #tpu.memory_space<vmem>>
            %gather3A_375 = tpu.vector_load_idx %gather3A_374[%max3A_370] : memref<32xf32, #tpu.memory_space<vmem>>[vector<16xi32>], vector<16xf32>,
            %ge3A_376 = arith.constant 99968 : i32
            %ge3A_377 = vector.broadcast %ge3A_376 : i32 to vector<16xi32>
            %ge3A_378 = arith.cmpi sge, %get3A_356, %ge3A_377 : vector<16xi32>
            %select_n3A_379 = arith.select %ge3A_378, %gather3A_375, %gather3A_364 : vector<16xi1>, vector<16xf32>
            %mul3A_380 = arith.constant 16 : i32
            %mul3A_381 = arith.muli %mul3A_380, %scan3A_250 : i32
            %swap3A_382 = arith.constant 3 : i32
            %swap3A_383 = arith.index_cast %swap3A_382 : i32 to index
            %swap3A_384 = arith.index_cast %mul3A_381 : i32 to index
            %swap3A_385 = tpu.vector_load %arg12[%swap3A_383, %swap3A_384] {strides = array<i32>} : memref<8x512xf32, #tpu.memory_space<vmem>>, vector<16xf32>,
            tpu.vector_store %arg12[%swap3A_383, %swap3A_384], %select_n3A_379 {strides = array<i32>} : memref<8x512xf32, #tpu.memory_space<vmem>>, vector<16xf32>,
            %mul3A_386 = arith.constant 16 : i32
            %mul3A_387 = arith.muli %mul3A_386, %scan3A_250 : i32
            %get3A_388 = arith.constant 4 : i32
            %get3A_389 = arith.index_cast %get3A_388 : i32 to index
            %get3A_390 = arith.index_cast %mul3A_387 : i32 to index
            %get3A_391 = tpu.vector_load %arg10[%get3A_389, %get3A_390] {strides = array<i32>} : memref<8x512xi32, #tpu.memory_space<vmem>>, vector<16xi32>,
            %min3A_392 = arith.constant 99967 : i32
            %min3A_393 = vector.broadcast %min3A_392 : i32 to vector<16xi32>
            %min3A_394 = arith.minsi %get3A_391, %min3A_393 : vector<16xi32>
            %gather3A_395 = arith.constant 0 : i32
            %gather3A_396 = arith.constant 0 : i32
            %gather3A_397 = tpu.memref_slice %arg7[%gather3A_395, %gather3A_396] : memref<1x99968xf32, #tpu.memory_space<vmem>> -> memref<1x99968xf32, #tpu.memory_space<vmem>>
            %gather3A_398 = tpu.memref_squeeze %gather3A_397 : memref<1x99968xf32, #tpu.memory_space<vmem>> -> memref<99968xf32, #tpu.memory_space<vmem>>
            %gather3A_399 = tpu.vector_load_idx %gather3A_398[%min3A_394] : memref<99968xf32, #tpu.memory_space<vmem>>[vector<16xi32>], vector<16xf32>,
            %sub3A_400 = arith.constant 99968 : i32
            %sub3A_401 = vector.broadcast %sub3A_400 : i32 to vector<16xi32>
            %sub3A_402 = arith.subi %get3A_391, %sub3A_401 : vector<16xi32>
            %max3A_403 = arith.constant 0 : i32
            %max3A_404 = vector.broadcast %max3A_403 : i32 to vector<16xi32>
            %max3A_405 = arith.maxsi %sub3A_402, %max3A_404 : vector<16xi32>
            %gather3A_406 = arith.constant 0 : i32
            %gather3A_407 = arith.constant 0 : i32
            %gather3A_408 = tpu.memref_slice %arg8[%gather3A_406, %gather3A_407] : memref<1x32xf32, #tpu.memory_space<vmem>> -> memref<1x32xf32, #tpu.memory_space<vmem>>
            %gather3A_409 = tpu.memref_squeeze %gather3A_408 : memref<1x32xf32, #tpu.memory_space<vmem>> -> memref<32xf32, #tpu.memory_space<vmem>>
            %gather3A_410 = tpu.vector_load_idx %gather3A_409[%max3A_405] : memref<32xf32, #tpu.memory_space<vmem>>[vector<16xi32>], vector<16xf32>,
            %ge3A_411 = arith.constant 99968 : i32
            %ge3A_412 = vector.broadcast %ge3A_411 : i32 to vector<16xi32>
            %ge3A_413 = arith.cmpi sge, %get3A_391, %ge3A_412 : vector<16xi32>
            %select_n3A_414 = arith.select %ge3A_413, %gather3A_410, %gather3A_399 : vector<16xi1>, vector<16xf32>
            %mul3A_415 = arith.constant 16 : i32
            %mul3A_416 = arith.muli %mul3A_415, %scan3A_250 : i32
            %swap3A_417 = arith.constant 4 : i32
            %swap3A_418 = arith.index_cast %swap3A_417 : i32 to index
            %swap3A_419 = arith.index_cast %mul3A_416 : i32 to index
            %swap3A_420 = tpu.vector_load %arg12[%swap3A_418, %swap3A_419] {strides = array<i32>} : memref<8x512xf32, #tpu.memory_space<vmem>>, vector<16xf32>,
            tpu.vector_store %arg12[%swap3A_418, %swap3A_419], %select_n3A_414 {strides = array<i32>} : memref<8x512xf32, #tpu.memory_space<vmem>>, vector<16xf32>,
            %mul3A_421 = arith.constant 16 : i32
            %mul3A_422 = arith.muli %mul3A_421, %scan3A_250 : i32
            %get3A_423 = arith.constant 5 : i32
            %get3A_424 = arith.index_cast %get3A_423 : i32 to index
            %get3A_425 = arith.index_cast %mul3A_422 : i32 to index
            %get3A_426 = tpu.vector_load %arg10[%get3A_424, %get3A_425] {strides = array<i32>} : memref<8x512xi32, #tpu.memory_space<vmem>>, vector<16xi32>,
            %min3A_427 = arith.constant 99967 : i32
            %min3A_428 = vector.broadcast %min3A_427 : i32 to vector<16xi32>
            %min3A_429 = arith.minsi %get3A_426, %min3A_428 : vector<16xi32>
            %gather3A_430 = arith.constant 0 : i32
            %gather3A_431 = arith.constant 0 : i32
            %gather3A_432 = tpu.memref_slice %arg7[%gather3A_430, %gather3A_431] : memref<1x99968xf32, #tpu.memory_space<vmem>> -> memref<1x99968xf32, #tpu.memory_space<vmem>>
            %gather3A_433 = tpu.memref_squeeze %gather3A_432 : memref<1x99968xf32, #tpu.memory_space<vmem>> -> memref<99968xf32, #tpu.memory_space<vmem>>
            %gather3A_434 = tpu.vector_load_idx %gather3A_433[%min3A_429] : memref<99968xf32, #tpu.memory_space<vmem>>[vector<16xi32>], vector<16xf32>,
            %sub3A_435 = arith.constant 99968 : i32
            %sub3A_436 = vector.broadcast %sub3A_435 : i32 to vector<16xi32>
            %sub3A_437 = arith.subi %get3A_426, %sub3A_436 : vector<16xi32>
            %max3A_438 = arith.constant 0 : i32
            %max3A_439 = vector.broadcast %max3A_438 : i32 to vector<16xi32>
            %max3A_440 = arith.maxsi %sub3A_437, %max3A_439 : vector<16xi32>
            %gather3A_441 = arith.constant 0 : i32
            %gather3A_442 = arith.constant 0 : i32
            %gather3A_443 = tpu.memref_slice %arg8[%gather3A_441, %gather3A_442] : memref<1x32xf32, #tpu.memory_space<vmem>> -> memref<1x32xf32, #tpu.memory_space<vmem>>
            %gather3A_444 = tpu.memref_squeeze %gather3A_443 : memref<1x32xf32, #tpu.memory_space<vmem>> -> memref<32xf32, #tpu.memory_space<vmem>>
            %gather3A_445 = tpu.vector_load_idx %gather3A_444[%max3A_440] : memref<32xf32, #tpu.memory_space<vmem>>[vector<16xi32>], vector<16xf32>,
            %ge3A_446 = arith.constant 99968 : i32
            %ge3A_447 = vector.broadcast %ge3A_446 : i32 to vector<16xi32>
            %ge3A_448 = arith.cmpi sge, %get3A_426, %ge3A_447 : vector<16xi32>
            %select_n3A_449 = arith.select %ge3A_448, %gather3A_445, %gather3A_434 : vector<16xi1>, vector<16xf32>
            %mul3A_450 = arith.constant 16 : i32
            %mul3A_451 = arith.muli %mul3A_450, %scan3A_250 : i32
            %swap3A_452 = arith.constant 5 : i32
            %swap3A_453 = arith.index_cast %swap3A_452 : i32 to index
            %swap3A_454 = arith.index_cast %mul3A_451 : i32 to index
            %swap3A_455 = tpu.vector_load %arg12[%swap3A_453, %swap3A_454] {strides = array<i32>} : memref<8x512xf32, #tpu.memory_space<vmem>>, vector<16xf32>,
            tpu.vector_store %arg12[%swap3A_453, %swap3A_454], %select_n3A_449 {strides = array<i32>} : memref<8x512xf32, #tpu.memory_space<vmem>>, vector<16xf32>,
            %mul3A_456 = arith.constant 16 : i32
            %mul3A_457 = arith.muli %mul3A_456, %scan3A_250 : i32
            %get3A_458 = arith.constant 6 : i32
            %get3A_459 = arith.index_cast %get3A_458 : i32 to index
            %get3A_460 = arith.index_cast %mul3A_457 : i32 to index
            %get3A_461 = tpu.vector_load %arg10[%get3A_459, %get3A_460] {strides = array<i32>} : memref<8x512xi32, #tpu.memory_space<vmem>>, vector<16xi32>,
            %min3A_462 = arith.constant 99967 : i32
            %min3A_463 = vector.broadcast %min3A_462 : i32 to vector<16xi32>
            %min3A_464 = arith.minsi %get3A_461, %min3A_463 : vector<16xi32>
            %gather3A_465 = arith.constant 0 : i32
            %gather3A_466 = arith.constant 0 : i32
            %gather3A_467 = tpu.memref_slice %arg7[%gather3A_465, %gather3A_466] : memref<1x99968xf32, #tpu.memory_space<vmem>> -> memref<1x99968xf32, #tpu.memory_space<vmem>>
            %gather3A_468 = tpu.memref_squeeze %gather3A_467 : memref<1x99968xf32, #tpu.memory_space<vmem>> -> memref<99968xf32, #tpu.memory_space<vmem>>
            %gather3A_469 = tpu.vector_load_idx %gather3A_468[%min3A_464] : memref<99968xf32, #tpu.memory_space<vmem>>[vector<16xi32>], vector<16xf32>,
            %sub3A_470 = arith.constant 99968 : i32
            %sub3A_471 = vector.broadcast %sub3A_470 : i32 to vector<16xi32>
            %sub3A_472 = arith.subi %get3A_461, %sub3A_471 : vector<16xi32>
            %max3A_473 = arith.constant 0 : i32
            %max3A_474 = vector.broadcast %max3A_473 : i32 to vector<16xi32>
            %max3A_475 = arith.maxsi %sub3A_472, %max3A_474 : vector<16xi32>
            %gather3A_476 = arith.constant 0 : i32
            %gather3A_477 = arith.constant 0 : i32
            %gather3A_478 = tpu.memref_slice %arg8[%gather3A_476, %gather3A_477] : memref<1x32xf32, #tpu.memory_space<vmem>> -> memref<1x32xf32, #tpu.memory_space<vmem>>
            %gather3A_479 = tpu.memref_squeeze %gather3A_478 : memref<1x32xf32, #tpu.memory_space<vmem>> -> memref<32xf32, #tpu.memory_space<vmem>>
            %gather3A_480 = tpu.vector_load_idx %gather3A_479[%max3A_475] : memref<32xf32, #tpu.memory_space<vmem>>[vector<16xi32>], vector<16xf32>,
            %ge3A_481 = arith.constant 99968 : i32
            %ge3A_482 = vector.broadcast %ge3A_481 : i32 to vector<16xi32>
            %ge3A_483 = arith.cmpi sge, %get3A_461, %ge3A_482 : vector<16xi32>
            %select_n3A_484 = arith.select %ge3A_483, %gather3A_480, %gather3A_469 : vector<16xi1>, vector<16xf32>
            %mul3A_485 = arith.constant 16 : i32
            %mul3A_486 = arith.muli %mul3A_485, %scan3A_250 : i32
            %swap3A_487 = arith.constant 6 : i32
            %swap3A_488 = arith.index_cast %swap3A_487 : i32 to index
            %swap3A_489 = arith.index_cast %mul3A_486 : i32 to index
            %swap3A_490 = tpu.vector_load %arg12[%swap3A_488, %swap3A_489] {strides = array<i32>} : memref<8x512xf32, #tpu.memory_space<vmem>>, vector<16xf32>,
            tpu.vector_store %arg12[%swap3A_488, %swap3A_489], %select_n3A_484 {strides = array<i32>} : memref<8x512xf32, #tpu.memory_space<vmem>>, vector<16xf32>,
            %mul3A_491 = arith.constant 16 : i32
            %mul3A_492 = arith.muli %mul3A_491, %scan3A_250 : i32
            %get3A_493 = arith.constant 7 : i32
            %get3A_494 = arith.index_cast %get3A_493 : i32 to index
            %get3A_495 = arith.index_cast %mul3A_492 : i32 to index
            %get3A_496 = tpu.vector_load %arg10[%get3A_494, %get3A_495] {strides = array<i32>} : memref<8x512xi32, #tpu.memory_space<vmem>>, vector<16xi32>,
            %min3A_497 = arith.constant 99967 : i32
            %min3A_498 = vector.broadcast %min3A_497 : i32 to vector<16xi32>
            %min3A_499 = arith.minsi %get3A_496, %min3A_498 : vector<16xi32>
            %gather3A_500 = arith.constant 0 : i32
            %gather3A_501 = arith.constant 0 : i32
            %gather3A_502 = tpu.memref_slice %arg7[%gather3A_500, %gather3A_501] : memref<1x99968xf32, #tpu.memory_space<vmem>> -> memref<1x99968xf32, #tpu.memory_space<vmem>>
            %gather3A_503 = tpu.memref_squeeze %gather3A_502 : memref<1x99968xf32, #tpu.memory_space<vmem>> -> memref<99968xf32, #tpu.memory_space<vmem>>
            %gather3A_504 = tpu.vector_load_idx %gather3A_503[%min3A_499] : memref<99968xf32, #tpu.memory_space<vmem>>[vector<16xi32>], vector<16xf32>,
            %sub3A_505 = arith.constant 99968 : i32
            %sub3A_506 = vector.broadcast %sub3A_505 : i32 to vector<16xi32>
            %sub3A_507 = arith.subi %get3A_496, %sub3A_506 : vector<16xi32>
            %max3A_508 = arith.constant 0 : i32
            %max3A_509 = vector.broadcast %max3A_508 : i32 to vector<16xi32>
            %max3A_510 = arith.maxsi %sub3A_507, %max3A_509 : vector<16xi32>
            %gather3A_511 = arith.constant 0 : i32
            %gather3A_512 = arith.constant 0 : i32
            %gather3A_513 = tpu.memref_slice %arg8[%gather3A_511, %gather3A_512] : memref<1x32xf32, #tpu.memory_space<vmem>> -> memref<1x32xf32, #tpu.memory_space<vmem>>
            %gather3A_514 = tpu.memref_squeeze %gather3A_513 : memref<1x32xf32, #tpu.memory_space<vmem>> -> memref<32xf32, #tpu.memory_space<vmem>>
            %gather3A_515 = tpu.vector_load_idx %gather3A_514[%max3A_510] : memref<32xf32, #tpu.memory_space<vmem>>[vector<16xi32>], vector<16xf32>,
            %ge3A_516 = arith.constant 99968 : i32
            %ge3A_517 = vector.broadcast %ge3A_516 : i32 to vector<16xi32>
            %ge3A_518 = arith.cmpi sge, %get3A_496, %ge3A_517 : vector<16xi32>
            %select_n3A_519 = arith.select %ge3A_518, %gather3A_515, %gather3A_504 : vector<16xi1>, vector<16xf32>
            %mul3A_520 = arith.constant 16 : i32
            %mul3A_521 = arith.muli %mul3A_520, %scan3A_250 : i32
            %swap3A_522 = arith.constant 7 : i32
            %swap3A_523 = arith.index_cast %swap3A_522 : i32 to index
            %swap3A_524 = arith.index_cast %mul3A_521 : i32 to index
            %swap3A_525 = tpu.vector_load %arg12[%swap3A_523, %swap3A_524] {strides = array<i32>} : memref<8x512xf32, #tpu.memory_space<vmem>>, vector<16xf32>,
            tpu.vector_store %arg12[%swap3A_523, %swap3A_524], %select_n3A_519 {strides = array<i32>} : memref<8x512xf32, #tpu.memory_space<vmem>>, vector<16xf32>,
          }
          %scan3A_193 = arith.constant 32 : i32
          %jit3A_194 = arith.constant 8 : i32
          %div3A_195 = arith.divsi %add3A_39, %jit3A_194 : i32
          %sign3A_196 = arith.constant 0 : i32
          %sign3A_197 = arith.cmpi sgt, %add3A_39, %sign3A_196 : i32
          %sign3A_198 = arith.extui %sign3A_197 : i1 to i32
          %sign3A_199 = arith.constant 0 : i32
          %sign3A_200 = arith.cmpi slt, %add3A_39, %sign3A_199 : i32
          %sign3A_201 = arith.extui %sign3A_200 : i1 to i32
          %sign3A_202 = arith.subi %sign3A_198, %sign3A_201 : i32
          %sign3A_203 = arith.constant 0 : i32
          %sign3A_204 = arith.cmpi sgt, %jit3A_194, %sign3A_203 : i32
          %sign3A_205 = arith.extui %sign3A_204 : i1 to i32
          %sign3A_206 = arith.constant 0 : i32
          %sign3A_207 = arith.cmpi slt, %jit3A_194, %sign3A_206 : i32
          %sign3A_208 = arith.extui %sign3A_207 : i1 to i32
          %sign3A_209 = arith.subi %sign3A_205, %sign3A_208 : i32
          %ne3A_210 = arith.cmpi ne, %sign3A_202, %sign3A_209 : i32
          %rem3A_211 = arith.remsi %add3A_39, %jit3A_194 : i32
          %ne3A_212 = arith.constant 0 : i32
          %ne3A_213 = arith.cmpi ne, %rem3A_211, %ne3A_212 : i32
          %and3A_214 = arith.andi %ne3A_210, %ne3A_213 : i1
          %sub3A_215 = arith.constant 1 : i32
          %sub3A_216 = arith.subi %div3A_195, %sub3A_215 : i32
          %select_n3A_217 = arith.select %and3A_214, %sub3A_216, %div3A_195 : i32
          %mul3A_218 = arith.constant 8 : i32
          %mul3A_219 = arith.muli %select_n3A_217, %mul3A_218 : i32
          %jit3A_220 = arith.constant 8 : i32
          %eq3A_221 = arith.constant 0 : i32
          %eq3A_222 = arith.cmpi eq, %jit3A_220, %eq3A_221 : i32
          %jit3A_223 = arith.constant 1 : i32
          %select_n3A_224 = arith.select %eq3A_222, %jit3A_223, %jit3A_220 : i32
          %rem3A_225 = arith.remsi %add3A_39, %select_n3A_224 : i32
          %ne3A_226 = arith.constant 0 : i32
          %ne3A_227 = arith.cmpi ne, %rem3A_225, %ne3A_226 : i32
          %lt3A_228 = arith.constant 0 : i32
          %lt3A_229 = arith.cmpi slt, %rem3A_225, %lt3A_228 : i32
          %lt3A_230 = arith.constant 0 : i32
          %lt3A_231 = arith.cmpi slt, %select_n3A_224, %lt3A_230 : i32
          %ne3A_232 = arith.xori %lt3A_229, %lt3A_231 : i1
          %and3A_233 = arith.andi %ne3A_232, %ne3A_227 : i1
          %add3A_234 = arith.addi %rem3A_225, %select_n3A_224 : i32
          %select_n3A_235 = arith.select %and3A_233, %add3A_234, %rem3A_225 : i32
          %mul3A_236 = arith.constant 512 : i32
          %mul3A_237 = arith.muli %select_n3A_235, %mul3A_236 : i32
          %dma_start3A_238 = tpu.memref_slice %arg6[%add3A_18, %mul3A_219, %mul3A_237] : memref<300x200x4096xf32, #tpu.memory_space<hbm>> -> memref<1x8x512xf32, #tpu.memory_space<hbm>>
          %dma_start3A_239 = tpu.memref_squeeze %dma_start3A_238 : memref<1x8x512xf32, #tpu.memory_space<hbm>> -> memref<8x512xf32, #tpu.memory_space<hbm>>
          %dma_start3A_240 = tpu.memref_slice %arg6[%add3A_18, %mul3A_219, %mul3A_237] : memref<300x200x4096xf32, #tpu.memory_space<hbm>> -> memref<1x8x512xf32, #tpu.memory_space<hbm>>
          %dma_start3A_241 = tpu.memref_squeeze %dma_start3A_240 : memref<1x8x512xf32, #tpu.memory_space<hbm>> -> memref<8x512xf32, #tpu.memory_space<hbm>>
          tpu.enqueue_dma source(%arg12 : memref<8x512xf32, #tpu.memory_space<vmem>>) target(%dma_start3A_241 : memref<8x512xf32, #tpu.memory_space<hbm>>) target_semaphore(%arg18 : memref<!tpu.dma_semaphore, #tpu.memory_space<semaphore_mem>>)
          %dma_wait3A_242 = tpu.memref_slice %arg6[%add3A_18, %mul3A_156, %mul3A_174] : memref<300x200x4096xf32, #tpu.memory_space<hbm>> -> memref<1x8x512xf32, #tpu.memory_space<hbm>>
          %dma_wait3A_243 = tpu.memref_squeeze %dma_wait3A_242 : memref<1x8x512xf32, #tpu.memory_space<hbm>> -> memref<8x512xf32, #tpu.memory_space<hbm>>
          %dma_wait3A_244 = tpu.memref_slice %arg6[%add3A_18, %mul3A_156, %mul3A_174] : memref<300x200x4096xf32, #tpu.memory_space<hbm>> -> memref<1x8x512xf32, #tpu.memory_space<hbm>>
          %dma_wait3A_245 = tpu.memref_squeeze %dma_wait3A_244 : memref<1x8x512xf32, #tpu.memory_space<hbm>> -> memref<8x512xf32, #tpu.memory_space<hbm>>
          tpu.wait_dma2 semaphore(%arg17 : memref<!tpu.dma_semaphore, #tpu.memory_space<semaphore_mem>>) src(%arg11 : memref<8x512xf32, #tpu.memory_space<vmem>>) dst(%dma_wait3A_245 : memref<8x512xf32, #tpu.memory_space<hbm>>)
          %dma_wait3A_246 = tpu.memref_slice %arg6[%add3A_18, %mul3A_219, %mul3A_237] : memref<300x200x4096xf32, #tpu.memory_space<hbm>> -> memref<1x8x512xf32, #tpu.memory_space<hbm>>
          %dma_wait3A_247 = tpu.memref_squeeze %dma_wait3A_246 : memref<1x8x512xf32, #tpu.memory_space<hbm>> -> memref<8x512xf32, #tpu.memory_space<hbm>>
          %dma_wait3A_248 = tpu.memref_slice %arg6[%add3A_18, %mul3A_219, %mul3A_237] : memref<300x200x4096xf32, #tpu.memory_space<hbm>> -> memref<1x8x512xf32, #tpu.memory_space<hbm>>
          %dma_wait3A_249 = tpu.memref_squeeze %dma_wait3A_248 : memref<1x8x512xf32, #tpu.memory_space<hbm>> -> memref<8x512xf32, #tpu.memory_space<hbm>>
          tpu.wait_dma2 semaphore(%arg18 : memref<!tpu.dma_semaphore, #tpu.memory_space<semaphore_mem>>) src(%arg12 : memref<8x512xf32, #tpu.memory_space<vmem>>) dst(%dma_wait3A_249 : memref<8x512xf32, #tpu.memory_space<hbm>>)
        }
        %scan3A_34 = arith.constant 100 : i32
      } else {
      }
    }
    %scan3A_14 = arith.constant 10 : i32
    return
  }
}

</mosaic_0001>

<sc_bundles>
// kernel: kernel.3.cloned.1.call-start
scs
__scs_entry_jumppad:
0x0: {  	(pc) =	sbr.rel $0x88, $3  }
0x1: {  	(tag) =	ssettag $0x0;
	lr =	simm.s32 $0x1  }
0x2: {  	[smem:$0x3F9F] =	sst lr;
	_ =	strace $0xD0000000  }
0x3: {  	_ = 	snop  }
0x4: {  	_ = 	snop  }
0x5: {  	_ = 	snop  }
0x6: {  	_ = 	snop  }
0x7: {  	_ = 	snop  }
__scs_overlays_trampoline_lowered:
0x8: {  	[smem:$0x3FAE] =	sst s0  }
0x9: {  	[smem:$0x3FAF] =	sst s1  }
0xa: {  	[smem:$0x3FB0] =	sst s2  }
0xb: {  	[smem:$0x3FB1] =	sst s3  }
0xc: {  	[smem:$0x3FB2] =	sst s4  }
0xd: {  	[smem:$0x3FB3] =	sst s5  }
0xe: {  	[smem:$0x3FB4] =	sst s6  }
0xf: {  	[smem:$0x3FB5] =	sst s7  }
0x10: {  	[smem:$0x3FB6] =	sst s8  }
0x11: {  	[smem:$0x3FB7] =	sst s9;
	s0 =	simm.s32 @!p0 $0x0  }
0x12: {  	s1 =	sld [smem:$0x3F9D];
	s0 =	simm.s32 @p0 $0x1  }
0x13: {  	[smem:$0x3FB8] =	sst s0;
	s0 =	simm.s32 @!p1 $0x0  }
0x14: {  	s2 =	sld [smem:$0x3F9C];
	s0 =	simm.s32 @p1 $0x1  }
0x15: {  	[smem:$0x3FB9] =	sst s0;
	s0 =	simm.s32 @!p2 $0x0  }
0x16: {  	s3 =	sld [smem:$0x3FDB];
	s0 =	simm.s32 @p2 $0x1  }
0x17: {  	s4 =	simm.s32 $0x1BF5;
	[smem:$0x3FBB] =	sst s0  }
0x18: {  	s0 =	sld [smem:$0x3F9E];
	_ =	swait.ge [sflag:s4], $0x0  }
0x19: {  	s7 =	sld [smem:$0x3F9F]  }
0x1a: {  	s8 =	sadd.s32 $0xFFFFE003, lr  }
0x1b: {  	s9 =	sadd.s32 $0xFFFFFEF7, lr;
	s5 =	simm.s32 $0xFFFFFFFF;
	p2 =	slt.u32 s8, $0xFFFFF086  }
0x1c: {  	p1 =	slt.u32 s9, $0xF7A;
	s5 =	simm.s32 @!p2 $0x0  }
0x1d: {  	s5 =	simm.s32 @p1 $0x1;
	p0 =	seq.s32 s7, s2  }
0x1e: {  	s7 =	smul.u32 @!p0 $0xF7A, s2;
	p2 =	seq.s32 @!p0 s5, $0x0  }
0x1f: {  	s9 =	smul.u32 $0xF7A, s1;
	s8 =	simm.s32 @!p0 $0x1BF5;
	p2 =	por !p2, p0  }
0x20: {  	[sflag:s8] =	ssyncset.s32 @!p0 $0xFFFFF086;
	s6 =	sadd.s32 @!p0 s3, s7;
	s7 =	simm.s32 @!p0 $0x108  }
0x21: {  	s3 =	sadd.s32 s3, s9;
	s6 =	sadd.s32 @!p0 $0x88, s6;
	s7 =	simm.s32 @p2 $0x1082  }
0x22: {  	[simem:s7], [sflag:s8] =	dma.local @!p0 [hbm:s6], $0xF7A  }
0x23: {  	s9 =	sor.u32 $0xD0000000, s2;
	s6 =	simm.s32 $0x108;
	_ =	swait.ge @!p0 [sflag:s8], $0x0  }
0x24: {  	s3 =	sadd.s32 $0x88, s3;
	s6 =	simm.s32 @!p1 $0x1082;
	[sflag:s4] =	ssyncset.s32 $0xFFFFF086  }
0x25: {  	[simem:s6], [sflag:s4] =	dma.local [hbm:s3], $0xF7A  }
0x26: {  	[smem:$0x3F9F] =	sst s1;
	(tag) =	ssettag s2;
	_ =	strace s9  }
0x27: {  	s1 =	sld [smem:$0x3FAF]  }
0x28: {  	s2 =	sld [smem:$0x3FB0]  }
0x29: {  	s4 =	sld [smem:$0x3FB2]  }
0x2a: {  	p0 =	seq.s32 s5, $0x0;
	s5 =	sld [smem:$0x3FB3]  }
0x2b: {  	s6 =	sld [smem:$0x3FB4]  }
0x2c: {  	s7 =	sld [smem:$0x3FB5]  }
0x2d: {  	s3 =	simm.s32 $0x108;
	s8 =	sld [smem:$0x3FB6]  }
0x2e: {  	s3 =	simm.s32 @!p0 $0x1082;
	s9 =	sld [smem:$0x3FB7]  }
0x2f: {  	lr =	sadd.s32 s0, s3;
	s0 =	sld [smem:$0x3FAE]  }
0x30: {  	s3 =	sld [smem:$0x3FB1]  }
0x31: {  	[smem:$0x3FBA] =	sst s10  }
0x32: {  	s10 =	sld [smem:$0x3FB8];
	_ =	sdelay $0x3  }
0x33: {  	p0 =	seq.s32 s10, $0x1;
	s10 =	sld [smem:$0x3FBA];
	_ =	sdelay $0x3  }
0x34: {  	[smem:$0x3FBA] =	sst s10  }
0x35: {  	s10 =	sld [smem:$0x3FB9];
	_ =	sdelay $0x3  }
0x36: {  	p1 =	seq.s32 s10, $0x1;
	s10 =	sld [smem:$0x3FBA];
	_ =	sdelay $0x3  }
0x37: {  	[smem:$0x3FBA] =	sst s10  }
0x38: {  	s10 =	sld [smem:$0x3FBB]  }
0x39: {  	_ = 	snop;
	(pc) =	sbr.ind lr, $3  }
0x3a: {  	_ = 	snop  }
0x3b: {  	_ = 	snop  }
0x3c: {  	p2 =	seq.s32 s10, $0x1;
	s10 =	sld [smem:$0x3FBA]  }
0x3d: {  	_ =	shalt  }
0x3e: {  	_ =	shalt  }
0x3f: {  	_ =	shalt  }
0x40: {  	_ =	shalt  }
0x41: {  	_ =	shalt  }
0x42: {  	_ =	shalt  }
0x43: {  	_ =	shalt  }
0x44: {  	_ =	shalt  }
0x45: {  	_ =	shalt  }
0x46: {  	_ =	shalt  }
0x47: {  	_ =	shalt  }
0x48: {  	_ =	shalt  }
0x49: {  	_ =	shalt  }
0x4a: {  	_ =	shalt  }
0x4b: {  	_ =	shalt  }
0x4c: {  	_ =	shalt  }
0x4d: {  	_ =	shalt  }
0x4e: {  	_ =	shalt  }
0x4f: {  	_ =	shalt  }
0x50: {  	_ =	shalt  }
0x51: {  	_ =	shalt  }
0x52: {  	_ =	shalt  }
0x53: {  	_ =	shalt  }
0x54: {  	_ =	shalt  }
0x55: {  	_ =	shalt  }
0x56: {  	_ =	shalt  }
0x57: {  	_ =	shalt  }
0x58: {  	_ =	shalt  }
0x59: {  	_ =	shalt  }
0x5a: {  	_ =	shalt  }
0x5b: {  	_ =	shalt  }
0x5c: {  	_ =	shalt  }
0x5d: {  	_ =	shalt  }
0x5e: {  	_ =	shalt  }
0x5f: {  	_ =	shalt  }
0x60: {  	_ =	shalt  }
0x61: {  	_ =	shalt  }
0x62: {  	_ =	shalt  }
0x63: {  	_ =	shalt  }
0x64: {  	_ =	shalt  }
0x65: {  	_ =	shalt  }
0x66: {  	_ =	shalt  }
0x67: {  	_ =	shalt  }
0x68: {  	_ =	shalt  }
0x69: {  	_ =	shalt  }
0x6a: {  	_ =	shalt  }
0x6b: {  	_ =	shalt  }
0x6c: {  	_ =	shalt  }
0x6d: {  	_ =	shalt  }
0x6e: {  	_ =	shalt  }
0x6f: {  	_ =	shalt  }
0x70: {  	_ =	shalt  }
0x71: {  	_ =	shalt  }
0x72: {  	_ =	shalt  }
0x73: {  	_ =	shalt  }
0x74: {  	_ =	shalt  }
0x75: {  	_ =	shalt  }
0x76: {  	_ =	shalt  }
0x77: {  	_ =	shalt  }
0x78: {  	_ =	shalt  }
0x79: {  	_ =	shalt  }
0x7a: {  	_ =	shalt  }
0x7b: {  	_ =	shalt  }
0x7c: {  	_ =	shalt  }
0x7d: {  	_ =	shalt  }
0x7e: {  	_ =	shalt  }
0x7f: {  	_ =	shalt  }
0x80: {  	_ =	shalt  }
0x81: {  	_ =	shalt  }
0x82: {  	_ =	shalt  }
0x83: {  	_ =	shalt  }
0x84: {  	_ =	shalt  }
0x85: {  	_ =	shalt  }
0x86: {  	_ =	shalt  }
0x87: {  	_ =	shalt  }
.Lfunc_end0:
.L_simem_size_0:
called_computation_lowered:
.L_overlay_start_0:
0x88: {  	s2 =	sld [smem:$0x3FD9]  }
0x89: {  	s3 =	sld [smem:$0x3FFE];
	_ =	sdelay $0x1  }
0x8a: {  	s1 =	srdreg.scid  }
0x8b: {  	s0 =	sand.u32 $0x1, s1  }
0x8c: {  	s17 =	sshll.u32 s0, $0xA;
	s2 =	sadd.s32 s3, s2  }
0x8d: {  	s2 =	sadd.s32 s2, s17  }
0x8e: {  	[smem:$0x3FC6] =	sst s2  }
0x8f: {  	_ = 	snop  }
0x90: {  	s2 =	sld [smem:$0x3FC9]  }
0x91: {  	s18 =	sld [smem:$0x3FC8]  }
0x92: {  	s4 =	sld [smem:$0x3FD0];
	(tm) =	ssettm $0x1  }
0x93: {  	s5 =	sld [smem:$0x3FFB];
	_ =	sdelay $0x3  }
0x94: {  	_ =	strace s5  }
0x95: {  	s5 =	sld [smem:$0x3FFC];
	_ =	sdelay $0x3  }
0x96: {  	_ =	strace s5  }
0x97: {  	s5 =	sld [smem:$0x3FFD];
	_ =	sdelay $0x3  }
0x98: {  	_ =	strace s5  }
0x99: {  	_ =	strace $0x8FFFFFFF  }
0x9a: {  	s19 =	sld [smem:$0x3FDB];
	_ =	sdelay $0x1  }
0x9b: {  	s6 =	simm.s32 $_scs_section_size  }
0x9c: {  	s7 =	simm.s32 $_size__tile_overlayer_lowered;
	s8 =	simm.s32 $_tile_overlayer_lowered  }
0x9d: {  	s22 =	simm.s32 $0x1BFF;
	s21 =	sshll.u32 s8, $0x1;
	s5 =	sadd.s32 s6, s19  }
0x9e: {  	s9 =	simm.s32 $0x0;
	s20 =	sshll.u32 s7, $0x1;
	s7 =	sadd.s32 s21, s5  }
0x9f: {  	[timem:s9], [sflag:s22] =	dma.local [hbm:s7], s20  }
0xa0: {  	_ =	swait.ge [sflag:s22], s20  }
0xa1: {  	s6 =	ssub.s32 $0x0, s20;
	[sflag:s22] =	ssyncset.done $0x0  }
0xa2: {  	[sflag:s22] =	ssyncadd.s32 s6;
	_ =	sdelay $0x1  }
0xa3: {  	s23 =	simm.s32 $0x1B8B  }
0xa4: {  	_ =	swait.ge [sflag:s23], $0x1  }
0xa5: {  	[sflag:s23] =	ssyncset.done $0x0  }
0xa6: {  	s25 =	simm.s32 $0x1B8E;
	s24 =	sld [smem:$0x3FFE];
	[sflag:s23] =	ssyncadd.s32 $0xFFFFFFFF  }
0xa7: {  	s26 =	simm.s32 $execute0_lowered;
	[smem:$0x3FD2] =	sst s25  }
0xa8: {  	s7 =	sshll.u32 s26, $0x1;
	_ =	strace $0x80000046;
	[dreg:$0x1] =	wrdreg $0xFFFFFFFF  }
0xa9: {  	s28 =	simm.s32 $_size_execute0_lowered;
	s5 =	sadd.s32 s5, s7;
	[dreg:$0x0] =	wrdreg $0x0  }
0xaa: {  	s7 =	sshll.u32 s28, $0x1;
	[dreg:$0x2] =	wrdreg s5  }
0xab: {  	[dreg:$0x3] =	wrdreg s7  }
0xac: {  	[dreg:$0x4] =	wrdreg $0xC0  }
0xad: {  	_ =	task [dreg:s9], $0x5FFFF  }
0xae: {  	[dreg:$0x1] =	wrdreg $0xFFFFFFFF  }
0xaf: {  	[dreg:$0x0] =	wrdreg $0x60  }
0xb0: {  	[dreg:$0x2] =	wrdreg s2  }
0xb1: {  	[dreg:$0x3] =	wrdreg s18  }
0xb2: {  	[dreg:$0x4] =	wrdreg s24  }
0xb3: {  	[dreg:$0x5] =	wrdreg s4  }
0xb4: {  	[dreg:$0x6] =	wrdreg $0x9  }
0xb5: {  	_ =	task.clear_ibuf [dreg:s9], $0x7FFFF;
	_ =	strace $0x90000046  }
0xb6: {  	s29 =	simm.s32 $0x9;
	_ =	strace $0x80000048  }
0xb7: {  	_ =	swait.ge [sflag:s29], $0x1  }
0xb8: {  	[sflag:s29] =	ssyncadd.s32 $0xFFFFFFFF  }
0xb9: {  	_ =	strace $0x90000048  }
0xba: {  	_ =	sfence  }
0xbb: {  	s30 =	sld [smem:$0x0];
	_ =	sdelay $0x2  }
0xbc: {  	s31 =	sshll.u32 s1, $0xD;
	s1 =	sshrl.u32 s1, $0x2  }
0xbd: {  	s3 =	sand.u32 $0x4000, s31;
	s1 =	sadd.s32 s1, s30  }
0xbe: {  	s0 =	sor.u32 s3, s0;
	s1 =	sshll.u32 s1, $0x11  }
0xbf: {  	s0 =	sor.u32 s1, s0  }
0xc0: {  	s0 =	sadd.s32 $0x8F2B, s0  }
0xc1: {  	[sflag:s0] =	ssyncadd.remote.s32 $0x1  }
0xc2: {  	_ =	sfence.sel $0xFFFF  }
0xc3: {  	[dreg:$0x0] =	wrdreg $0xFFFFFFFF;
	(pc) =	sbr.abs _section_cstart, $3  }
0xc4: {  	[dreg:$0x1] =	wrdreg $0xFFFFFFFF  }
0xc5: {  	_ =	task.clear_ibuf [dreg:s9], $0x2FFFF;
	_ =	strace $0x9FFFFFFF  }
0xc6: {  	(tm) =	ssettm $0x7FFFFFFF  }
0xc7: {  	_ =	shalt  }
tec
execute0_lowered:
.L_overlay_start_1:
0x0: {  	(tag) =	ssettag $0x1  }
0x1: {  	s1 =	rddreg [dreg:$0x0]  }
0x2: {  	s7 =	rddreg [dreg:$0x1]  }
0x3: {  	s0 =	rddreg [dreg:$0x2]  }
0x4: {  	s3 =	rddreg [dreg:$0x3];
	s5 =	simm.s32 $0x0  }
0x5: {  	[smem:$0x7FF] =	sst s5;
	s6 =	sadd.s32 $0x400, s0  }
0x6: {  	s0 =	sadd.s32 $0x1800, s0;
	_ =	strace $0x80000047;
	[dreg:$0x5] =	wrdreg s6  }
0x7: {  	s25 =	sadd.s32 $0x800, s7;
	[dreg:$0x6] =	wrdreg s0  }
0x8: {  	s26 =	sadd.s32 $0x1000, s7;
	[dreg:$0x8] =	wrdreg s25  }
0x9: {  	s9 =	sadd.s32 $0x2800, s7;
	[dreg:$0x9] =	wrdreg s26  }
0xa: {  	s10 =	sadd.s32 $0x3000, s7;
	[dreg:$0xc] =	wrdreg s9  }
0xb: {  	s11 =	sadd.s32 $0x3800, s7;
	[dreg:$0xd] =	wrdreg s10  }
0xc: {  	s12 =	sadd.s32 $0x4000, s7;
	[dreg:$0xe] =	wrdreg s11  }
0xd: {  	s13 =	sadd.s32 $0x4800, s7;
	[dreg:$0xf] =	wrdreg s12  }
0xe: {  	s14 =	sadd.s32 $0x5000, s7;
	[dreg:$0x10] =	wrdreg s13  }
0xf: {  	s15 =	sadd.s32 $0x5800, s7;
	[dreg:$0x11] =	wrdreg s14  }
0x10: {  	s16 =	sadd.s32 $0x6000, s7;
	[dreg:$0x12] =	wrdreg s15  }
0x11: {  	s17 =	sadd.s32 $0x6800, s7;
	[dreg:$0x13] =	wrdreg s16  }
0x12: {  	s18 =	sadd.s32 $0x7000, s7;
	[dreg:$0x14] =	wrdreg s17  }
0x13: {  	s19 =	sadd.s32 $0x7800, s7;
	[dreg:$0x15] =	wrdreg s18  }
0x14: {  	s20 =	sadd.s32 $0x8000, s7;
	[dreg:$0x16] =	wrdreg s19  }
0x15: {  	s21 =	sadd.s32 $0x8800, s7;
	[dreg:$0x18] =	wrdreg s20  }
0x16: {  	s22 =	sadd.s32 $0x9000, s7;
	[dreg:$0x19] =	wrdreg s21  }
0x17: {  	s2 =	srdreg.scid;
	s6 =	sadd.s32 $0x2000, s7;
	[dreg:$0x1a] =	wrdreg s22  }
0x18: {  	s8 =	stileid.u32;
	s25 =	sadd.s32 $0xA800, s7;
	[dreg:$0xb] =	wrdreg s6  }
0x19: {  	s2 =	sand.u32 $0x1, s2;
	s26 =	sadd.s32 $0xB000, s7;
	[dreg:$0x1d] =	wrdreg s25  }
0x1a: {  	s4 =	sshll.u32 s8, $0x1;
	s9 =	sadd.s32 $0xD000, s7;
	[dreg:$0x1e] =	wrdreg s26  }
0x1b: {  	p0 =	slt.u32 s8, $0x6;
	s10 =	sadd.s32 $0xD800, s7;
	[smem:$0x7EC] =	sst s9  }
0x1c: {  	s8 =	simm.s32 $0xA;
	s11 =	sadd.s32 $0xE000, s7;
	[smem:$0x7ED] =	sst s10  }
0x1d: {  	s28 =	sadd.s32 $0x16000, s7;
	s12 =	sadd.s32 $0xE800, s7;
	[smem:$0x7EE] =	sst s11  }
0x1e: {  	s29 =	sadd.s32 $0x16800, s7;
	s13 =	sadd.s32 $0xF000, s7;
	[smem:$0x7EF] =	sst s12  }
0x1f: {  	s30 =	sadd.s32 $0x17000, s7;
	s14 =	sadd.s32 $0xF800, s7;
	[smem:$0x7F0] =	sst s13  }
0x20: {  	s31 =	sadd.s32 $0x17800, s7;
	s15 =	sadd.s32 $0x10000, s7;
	[smem:$0x7F1] =	sst s14  }
0x21: {  	s23 =	ssub.s32 $0x2, s2;
	s16 =	sadd.s32 $0x10800, s7;
	[smem:$0x7F2] =	sst s15  }
0x22: {  	s2 =	sor.u32 s2, s4;
	s17 =	sadd.s32 $0x11000, s7;
	[smem:$0x7F3] =	sst s16  }
0x23: {  	s8 =	simm.s32 @!p0 $0x9;
	s18 =	sadd.s32 $0x11800, s7;
	[smem:$0x7F4] =	sst s17  }
0x24: {  	s19 =	sadd.s32 $0x12000, s7;
	s20 =	sadd.s32 $0x12800, s7;
	[smem:$0x7F5] =	sst s18  }
0x25: {  	s21 =	sadd.s32 $0x13000, s7;
	s22 =	sadd.s32 $0x13800, s7;
	[smem:$0x7F6] =	sst s19  }
0x26: {  	s24 =	sshrl.u32 s23, $0x1;
	s4 =	smul.u32 $0x9, s2;
	[smem:$0x7F7] =	sst s20  }
0x27: {  	s2 =	smin.u32 s2, $0xC;
	s6 =	sadd.s32 $0xC800, s7;
	[smem:$0x7F8] =	sst s21  }
0x28: {  	[smem:$0x7F9] =	sst s22;
	s25 =	sadd.s32 $0x15000, s7;
	s26 =	sadd.s32 $0x15800, s7  }
0x29: {  	s9 =	simm.s32 $0x2;
	s10 =	simm.s32 $0x1A700;
	[smem:$0x7EB] =	sst s6  }
0x2a: {  	s11 =	simm.s32 $0x3;
	s12 =	simm.s32 $0x1B700;
	[smem:$0x7FC] =	sst s25  }
0x2b: {  	s0 =	ssub.s32 s23, s24;
	s23 =	sadd.s32 $0x9800, s7;
	[smem:$0x7FD] =	sst s26  }
0x2c: {  	s13 =	simm.s32 $0x4;
	s24 =	sadd.s32 $0xA000, s7;
	[dreg:$0x1b] =	wrdreg s23  }
0x2d: {  	s14 =	simm.s32 $0x5;
	s2 =	sadd.s32 s2, s4;
	[dreg:$0x1c] =	wrdreg s24  }
0x2e: {  	s16 =	simm.s32 $0x0;
	s4 =	sadd.s32 $0x1800, s7;
	[dreg:$0x7] =	wrdreg s2  }
0x2f: {  	s25 =	simm.s32 $0x6;
	s0 =	smax.u32 s0, $0x1;
	[dreg:$0xa] =	wrdreg s4  }
.Ltmp0:
0x30: {  	s23 =	sadd.s32 $0x14000, s7;
	[dreg:$0x17] =	wrdreg s0;
	(pc) =	sbr.rel .LBB2_1-.Ltmp0, $4  }
0x31: {  	s6 =	simm.s32 $0x18680;
	s24 =	sadd.s32 $0x14800, s7;
	[smem:$0x7FA] =	sst s23  }
0x32: {  	s2 =	sadd.s32 $0xB800, s7;
	s4 =	sadd.s32 $0xC000, s7;
	[smem:$0x7FB] =	sst s24  }
0x33: {  	v0 =	vimm.s32 $0x0;
	v1 =	vlaneseq.u32;
	s0 =	sadd.s32 $0x18000, s7;
	s7 =	simm.s32 $0x19700;
	[dreg:$0x1f] =	wrdreg s2  }
0x34: {  	vm0 =	vmmov $0xffff;
	vm1 =	vmmov $0x1fff;
	v1 =	vmul.u32 $0x8, v1;
	[smem:$0x7EA] =	sst s4;
	s4 =	sadd.s32 $0x400, s1;
	s2 =	simm.s32 $0x1  }
.LBB2_10:
0x35: {  	s16 =	sld [smem:$0x7E9];
	_ =	sdelay $0x2  }
0x36: {  	s15 =	rddreg [dreg:$0x17];
	s16 =	sadd.s32 $0x1, s16  }
0x37: {  	p0 =	sne.s32 s16, s15  }
.Ltmp1:
0x38: {  	_ = 	snop;
	(pc) =	sbr.rel @!p0 .LBB2_11-.Ltmp1, $1  }
0x39: {  	_ =	sdelay $0x3  }
.LBB2_1:
.Ltmp2:
0x3a: {  	(pc) =	sbr.rel .LBB2_2-.Ltmp2, $2  }
0x3b: {  	_ =	sdelay $0x2  }
0x3c: {  	[smem:$0x7E9] =	sst s16;
	s15 =	simm.s32 $0x0  }
.LBB2_9:
0x3d: {  	s15 =	sadd.s32 $0x1, s15  }
0x3e: {  	p0 =	sne.s32 s15, $0xA  }
.Ltmp3:
0x3f: {  	_ = 	snop;
	(pc) =	sbr.rel @!p0 .LBB2_10-.Ltmp3, $1  }
0x40: {  	_ =	sdelay $0x3  }
.LBB2_2:
0x41: {  	p0 =	sge.u32 s15, s8  }
.Ltmp4:
0x42: {  	_ = 	snop;
	(pc) =	sbr.rel @p0 .LBB2_9-.Ltmp4, $1  }
0x43: {  	_ =	sdelay $0x3  }
0x44: {  	s16 =	rddreg [dreg:$0x7]  }
0x45: {  	s17 =	sadd.s32 s15, s16  }
0x46: {  	s16 =	sshll.u32 s17, $0x4  }
0x47: {  	s20 =	rddreg [dreg:$0x6];
	s18 =	sand.u32 $0x1FFFFFF0, s16  }
0x48: {  	s16 =	simm.s32 $0x0;
	s19 =	sadd.s32 s20, s18;
	s20 =	simm.s32 $0x1C700  }
0x49: {  	[tilespmem:s20], [sflag:$0x6] =	stream.linear.gather [hbm4b:s19+s16], $0x80, $0x38;
	[tilespmem:$0x1C780] =	vst v63  }
0x4a: {  	_ =	swait.ge [sflag:s25], $0x80  }
0x4b: {  	[sflag:s25] =	ssyncset.done $0x0  }
0x4c: {  	[sflag:s25] =	ssyncadd.s32 $0xFFFFFF80  }
0x4d: {  	v2 =	vld.msk [tilespmem:$0x1C700], $0x1;
	_ =	sdelay $0x4  }
0x4e: {  	v3 =	vshrl.u32 v2, $0x3  }
0x4f: {  	v3 =	vmul.u32 $0x1870, v3  }
0x50: {  	v2 =	vand.u32 $0x7, v2  }
0x51: {  	v2 =	vor.u32 v2, v3  }
0x52: {  	v2 =	vperm.xlane v2, v0;
	_ =	sdelay $0x1  }
0x53: {  	v2 =	vadd.s32 v1, v2;
	_ =	sdelay $0x2  }
0x54: {  	s22 =	rddreg [dreg:$0x8]  }
0x55: {  	s21 =	rddreg [dreg:$0x1]  }
0x56: {  	[tilespmem:s16], [sflag:$0x1] =	stream.indirect_vreg.gather [hbm4b:s21+s16], $0x80, v2, vm0, $0xb8;
	[tilespmem:$0x1C780] =	vst v63  }
0x57: {  	s23 =	simm.s32 $0x800;
	s24 =	rddreg [dreg:$0x9]  }
0x58: {  	[tilespmem:s23], [sflag:$0x1] =	stream.indirect_vreg.gather [hbm4b:s22+s16], $0x80, v2, vm0, $0xb8;
	[tilespmem:$0x1C780] =	vst v63  }
0x59: {  	s26 =	simm.s32 $0x1000;
	s20 =	rddreg [dreg:$0xa]  }
0x5a: {  	[tilespmem:s26], [sflag:$0x1] =	stream.indirect_vreg.gather [hbm4b:s24+s16], $0x80, v2, vm0, $0xb8;
	[tilespmem:$0x1C780] =	vst v63  }
0x5b: {  	s21 =	simm.s32 $0x1800;
	s22 =	rddreg [dreg:$0xb]  }
0x5c: {  	[tilespmem:s21], [sflag:$0x1] =	stream.indirect_vreg.gather [hbm4b:s20+s16], $0x80, v2, vm0, $0xb8;
	[tilespmem:$0x1C780] =	vst v63  }
0x5d: {  	s23 =	simm.s32 $0x2000;
	s24 =	rddreg [dreg:$0xc]  }
0x5e: {  	[tilespmem:s23], [sflag:$0x1] =	stream.indirect_vreg.gather [hbm4b:s22+s16], $0x80, v2, vm0, $0xb8;
	[tilespmem:$0x1C780] =	vst v63  }
0x5f: {  	s26 =	simm.s32 $0x2800;
	s20 =	rddreg [dreg:$0xd]  }
0x60: {  	[tilespmem:s26], [sflag:$0x1] =	stream.indirect_vreg.gather [hbm4b:s24+s16], $0x80, v2, vm0, $0xb8;
	[tilespmem:$0x1C780] =	vst v63  }
0x61: {  	s21 =	simm.s32 $0x3000;
	s22 =	rddreg [dreg:$0xe]  }
0x62: {  	[tilespmem:s21], [sflag:$0x1] =	stream.indirect_vreg.gather [hbm4b:s20+s16], $0x80, v2, vm0, $0xb8;
	[tilespmem:$0x1C780] =	vst v63  }
0x63: {  	s23 =	simm.s32 $0x3800;
	s24 =	rddreg [dreg:$0xf]  }
0x64: {  	[tilespmem:s23], [sflag:$0x1] =	stream.indirect_vreg.gather [hbm4b:s22+s16], $0x80, v2, vm0, $0xb8;
	[tilespmem:$0x1C780] =	vst v63  }
0x65: {  	s26 =	simm.s32 $0x4000;
	s20 =	rddreg [dreg:$0x10]  }
0x66: {  	[tilespmem:s26], [sflag:$0x1] =	stream.indirect_vreg.gather [hbm4b:s24+s16], $0x80, v2, vm0, $0xb8;
	[tilespmem:$0x1C780] =	vst v63  }
0x67: {  	s21 =	simm.s32 $0x4800;
	s22 =	rddreg [dreg:$0x11]  }
0x68: {  	[tilespmem:s21], [sflag:$0x1] =	stream.indirect_vreg.gather [hbm4b:s20+s16], $0x80, v2, vm0, $0xb8;
	[tilespmem:$0x1C780] =	vst v63  }
0x69: {  	s23 =	simm.s32 $0x5000;
	s24 =	rddreg [dreg:$0x12]  }
0x6a: {  	[tilespmem:s23], [sflag:$0x1] =	stream.indirect_vreg.gather [hbm4b:s22+s16], $0x80, v2, vm0, $0xb8;
	[tilespmem:$0x1C780] =	vst v63  }
0x6b: {  	s26 =	simm.s32 $0x5800;
	s20 =	rddreg [dreg:$0x13]  }
0x6c: {  	[tilespmem:s26], [sflag:$0x1] =	stream.indirect_vreg.gather [hbm4b:s24+s16], $0x80, v2, vm0, $0xb8;
	[tilespmem:$0x1C780] =	vst v63  }
0x6d: {  	s21 =	simm.s32 $0x6000;
	s22 =	rddreg [dreg:$0x14]  }
0x6e: {  	[tilespmem:s21], [sflag:$0x1] =	stream.indirect_vreg.gather [hbm4b:s20+s16], $0x80, v2, vm0, $0xb8;
	[tilespmem:$0x1C780] =	vst v63  }
0x6f: {  	s23 =	simm.s32 $0x6800;
	s24 =	rddreg [dreg:$0x15]  }
0x70: {  	[tilespmem:s23], [sflag:$0x1] =	stream.indirect_vreg.gather [hbm4b:s22+s16], $0x80, v2, vm0, $0xb8;
	[tilespmem:$0x1C780] =	vst v63  }
0x71: {  	s26 =	simm.s32 $0x7000;
	s20 =	rddreg [dreg:$0x16]  }
0x72: {  	[tilespmem:s26], [sflag:$0x1] =	stream.indirect_vreg.gather [hbm4b:s24+s16], $0x80, v2, vm0, $0xb8;
	[tilespmem:$0x1C780] =	vst v63  }
0x73: {  	s21 =	simm.s32 $0x7800;
	s22 =	rddreg [dreg:$0x18]  }
0x74: {  	[tilespmem:s21], [sflag:$0x1] =	stream.indirect_vreg.gather [hbm4b:s20+s16], $0x80, v2, vm0, $0xb8;
	[tilespmem:$0x1C780] =	vst v63  }
0x75: {  	s23 =	simm.s32 $0x8000;
	s24 =	rddreg [dreg:$0x19]  }
0x76: {  	[tilespmem:s23], [sflag:$0x1] =	stream.indirect_vreg.gather [hbm4b:s22+s16], $0x80, v2, vm0, $0xb8;
	[tilespmem:$0x1C780] =	vst v63  }
0x77: {  	s26 =	simm.s32 $0x8800;
	s20 =	rddreg [dreg:$0x1a]  }
0x78: {  	[tilespmem:s26], [sflag:$0x1] =	stream.indirect_vreg.gather [hbm4b:s24+s16], $0x80, v2, vm0, $0xb8;
	[tilespmem:$0x1C780] =	vst v63  }
0x79: {  	s21 =	simm.s32 $0x9000;
	s22 =	rddreg [dreg:$0x1b]  }
0x7a: {  	[tilespmem:s21], [sflag:$0x1] =	stream.indirect_vreg.gather [hbm4b:s20+s16], $0x80, v2, vm0, $0xb8;
	[tilespmem:$0x1C780] =	vst v63  }
0x7b: {  	s23 =	simm.s32 $0x9800;
	s24 =	rddreg [dreg:$0x1c]  }
0x7c: {  	[tilespmem:s23], [sflag:$0x1] =	stream.indirect_vreg.gather [hbm4b:s22+s16], $0x80, v2, vm0, $0xb8;
	[tilespmem:$0x1C780] =	vst v63  }
0x7d: {  	s26 =	simm.s32 $0xA000;
	s20 =	rddreg [dreg:$0x1d]  }
0x7e: {  	[tilespmem:s26], [sflag:$0x1] =	stream.indirect_vreg.gather [hbm4b:s24+s16], $0x80, v2, vm0, $0xb8;
	[tilespmem:$0x1C780] =	vst v63  }
0x7f: {  	s21 =	simm.s32 $0xA800;
	s22 =	rddreg [dreg:$0x1e]  }
0x80: {  	[tilespmem:s21], [sflag:$0x1] =	stream.indirect_vreg.gather [hbm4b:s20+s16], $0x80, v2, vm0, $0xb8;
	[tilespmem:$0x1C780] =	vst v63  }
0x81: {  	s23 =	simm.s32 $0xB000;
	s24 =	rddreg [dreg:$0x1f]  }
0x82: {  	[tilespmem:s23], [sflag:$0x1] =	stream.indirect_vreg.gather [hbm4b:s22+s16], $0x80, v2, vm0, $0xb8;
	[tilespmem:$0x1C780] =	vst v63  }
0x83: {  	s26 =	simm.s32 $0xB800;
	s20 =	sld [smem:$0x7EA]  }
0x84: {  	[tilespmem:s26], [sflag:$0x1] =	stream.indirect_vreg.gather [hbm4b:s24+s16], $0x80, v2, vm0, $0xb8;
	[tilespmem:$0x1C780] =	vst v63  }
0x85: {  	s21 =	simm.s32 $0xC000;
	s22 =	sld [smem:$0x7EB]  }
0x86: {  	[tilespmem:s21], [sflag:$0x1] =	stream.indirect_vreg.gather [hbm4b:s20+s16], $0x80, v2, vm0, $0xb8;
	[tilespmem:$0x1C780] =	vst v63  }
0x87: {  	s23 =	simm.s32 $0xC800;
	s24 =	sld [smem:$0x7EC]  }
0x88: {  	[tilespmem:s23], [sflag:$0x1] =	stream.indirect_vreg.gather [hbm4b:s22+s16], $0x80, v2, vm0, $0xb8;
	[tilespmem:$0x1C780] =	vst v63  }
0x89: {  	s26 =	simm.s32 $0xD000;
	s20 =	sld [smem:$0x7ED]  }
0x8a: {  	[tilespmem:s26], [sflag:$0x1] =	stream.indirect_vreg.gather [hbm4b:s24+s16], $0x80, v2, vm0, $0xb8;
	[tilespmem:$0x1C780] =	vst v63  }
0x8b: {  	s21 =	simm.s32 $0xD800;
	s22 =	sld [smem:$0x7EE]  }
0x8c: {  	[tilespmem:s21], [sflag:$0x1] =	stream.indirect_vreg.gather [hbm4b:s20+s16], $0x80, v2, vm0, $0xb8;
	[tilespmem:$0x1C780] =	vst v63  }
0x8d: {  	s23 =	simm.s32 $0xE000;
	s24 =	sld [smem:$0x7EF]  }
0x8e: {  	[tilespmem:s23], [sflag:$0x1] =	stream.indirect_vreg.gather [hbm4b:s22+s16], $0x80, v2, vm0, $0xb8;
	[tilespmem:$0x1C780] =	vst v63  }
0x8f: {  	s26 =	simm.s32 $0xE800;
	s20 =	sld [smem:$0x7F0]  }
0x90: {  	[tilespmem:s26], [sflag:$0x1] =	stream.indirect_vreg.gather [hbm4b:s24+s16], $0x80, v2, vm0, $0xb8;
	[tilespmem:$0x1C780] =	vst v63  }
0x91: {  	s21 =	simm.s32 $0xF000;
	s22 =	sld [smem:$0x7F1]  }
0x92: {  	[tilespmem:s21], [sflag:$0x1] =	stream.indirect_vreg.gather [hbm4b:s20+s16], $0x80, v2, vm0, $0xb8;
	[tilespmem:$0x1C780] =	vst v63  }
0x93: {  	s23 =	simm.s32 $0xF800;
	s24 =	sld [smem:$0x7F2]  }
0x94: {  	[tilespmem:s23], [sflag:$0x1] =	stream.indirect_vreg.gather [hbm4b:s22+s16], $0x80, v2, vm0, $0xb8;
	[tilespmem:$0x1C780] =	vst v63  }
0x95: {  	s26 =	simm.s32 $0x10000;
	s20 =	sld [smem:$0x7F3]  }
0x96: {  	[tilespmem:s26], [sflag:$0x1] =	stream.indirect_vreg.gather [hbm4b:s24+s16], $0x80, v2, vm0, $0xb8;
	[tilespmem:$0x1C780] =	vst v63  }
0x97: {  	s21 =	simm.s32 $0x10800;
	s22 =	sld [smem:$0x7F4]  }
0x98: {  	[tilespmem:s21], [sflag:$0x1] =	stream.indirect_vreg.gather [hbm4b:s20+s16], $0x80, v2, vm0, $0xb8;
	[tilespmem:$0x1C780] =	vst v63  }
0x99: {  	s23 =	simm.s32 $0x11000;
	s24 =	sld [smem:$0x7F5]  }
0x9a: {  	[tilespmem:s23], [sflag:$0x1] =	stream.indirect_vreg.gather [hbm4b:s22+s16], $0x80, v2, vm0, $0xb8;
	[tilespmem:$0x1C780] =	vst v63  }
0x9b: {  	s26 =	simm.s32 $0x11800;
	s20 =	sld [smem:$0x7F6]  }
0x9c: {  	[tilespmem:s26], [sflag:$0x1] =	stream.indirect_vreg.gather [hbm4b:s24+s16], $0x80, v2, vm0, $0xb8;
	[tilespmem:$0x1C780] =	vst v63  }
0x9d: {  	s21 =	simm.s32 $0x12000;
	s22 =	sld [smem:$0x7F7]  }
0x9e: {  	[tilespmem:s21], [sflag:$0x1] =	stream.indirect_vreg.gather [hbm4b:s20+s16], $0x80, v2, vm0, $0xb8;
	[tilespmem:$0x1C780] =	vst v63  }
0x9f: {  	s23 =	simm.s32 $0x12800;
	s24 =	sld [smem:$0x7F8]  }
0xa0: {  	[tilespmem:s23], [sflag:$0x1] =	stream.indirect_vreg.gather [hbm4b:s22+s16], $0x80, v2, vm0, $0xb8;
	[tilespmem:$0x1C780] =	vst v63  }
0xa1: {  	s26 =	simm.s32 $0x13000;
	s20 =	sld [smem:$0x7F9]  }
0xa2: {  	[tilespmem:s26], [sflag:$0x1] =	stream.indirect_vreg.gather [hbm4b:s24+s16], $0x80, v2, vm0, $0xb8;
	[tilespmem:$0x1C780] =	vst v63  }
0xa3: {  	s21 =	simm.s32 $0x13800;
	s22 =	sld [smem:$0x7FA]  }
0xa4: {  	[tilespmem:s21], [sflag:$0x1] =	stream.indirect_vreg.gather [hbm4b:s20+s16], $0x80, v2, vm0, $0xb8;
	[tilespmem:$0x1C780] =	vst v63  }
0xa5: {  	s23 =	simm.s32 $0x14000;
	s24 =	sld [smem:$0x7FB]  }
0xa6: {  	[tilespmem:s23], [sflag:$0x1] =	stream.indirect_vreg.gather [hbm4b:s22+s16], $0x80, v2, vm0, $0xb8;
	[tilespmem:$0x1C780] =	vst v63  }
0xa7: {  	s26 =	simm.s32 $0x14800;
	s21 =	sld [smem:$0x7FC]  }
0xa8: {  	[tilespmem:s26], [sflag:$0x1] =	stream.indirect_vreg.gather [hbm4b:s24+s16], $0x80, v2, vm0, $0xb8;
	[tilespmem:$0x1C780] =	vst v63  }
0xa9: {  	s22 =	simm.s32 $0x15000;
	s23 =	sld [smem:$0x7FD]  }
0xaa: {  	[tilespmem:s22], [sflag:$0x1] =	stream.indirect_vreg.gather [hbm4b:s21+s16], $0x80, v2, vm0, $0xb8;
	[tilespmem:$0x1C780] =	vst v63  }
0xab: {  	s24 =	simm.s32 $0x15800  }
0xac: {  	[tilespmem:s24], [sflag:$0x1] =	stream.indirect_vreg.gather [hbm4b:s23+s16], $0x80, v2, vm0, $0xb8;
	[tilespmem:$0x1C780] =	vst v63  }
0xad: {  	s26 =	simm.s32 $0x16000  }
0xae: {  	[tilespmem:s26], [sflag:$0x1] =	stream.indirect_vreg.gather [hbm4b:s28+s16], $0x80, v2, vm0, $0xb8;
	[tilespmem:$0x1C780] =	vst v63  }
0xaf: {  	s20 =	simm.s32 $0x16800  }
0xb0: {  	[tilespmem:s20], [sflag:$0x1] =	stream.indirect_vreg.gather [hbm4b:s29+s16], $0x80, v2, vm0, $0xb8;
	[tilespmem:$0x1C780] =	vst v63  }
0xb1: {  	s21 =	simm.s32 $0x17000  }
0xb2: {  	[tilespmem:s21], [sflag:$0x1] =	stream.indirect_vreg.gather [hbm4b:s30+s16], $0x80, v2, vm0, $0xb8;
	[tilespmem:$0x1C780] =	vst v63  }
0xb3: {  	s22 =	simm.s32 $0x17800  }
0xb4: {  	[tilespmem:s22], [sflag:$0x1] =	stream.indirect_vreg.gather [hbm4b:s31+s16], $0x80, v2, vm0, $0xb8;
	[tilespmem:$0x1C780] =	vst v63  }
0xb5: {  	s23 =	simm.s32 $0x18000  }
0xb6: {  	[tilespmem:s23], [sflag:$0x1] =	stream.indirect_vreg.gather [hbm4b:s0+s16], $0x80, v2, vm1, $0xb8;
	[tilespmem:$0x1C780] =	vst v63  }
0xb7: {  	_ =	swait.ge [sflag:s2], $0x18680  }
0xb8: {  	[sflag:s2] =	ssyncset.done $0x0;
	s24 =	rddreg [dreg:$0x5]  }
0xb9: {  	[sflag:s2] =	ssyncadd.s32 $0xFFFE7980;
	s18 =	sadd.s32 s24, s18  }
0xba: {  	[tilespmem:s6], [sflag:$0x6] =	stream.linear.gather [hbm4b:s18+s16], $0x80, $0x38;
	[tilespmem:$0x1C780] =	vst v63  }
0xbb: {  	_ =	swait.ge [sflag:s25], $0x80  }
0xbc: {  	s17 =	smul.u32 $0xC8000, s17;
	[sflag:s25] =	ssyncset.done $0x0  }
0xbd: {  	s19 =	simm.s32 $0x0;
	s26 =	simm.s32 $0x18700;
	[sflag:s25] =	ssyncadd.s32 $0xFFFFFF80  }
0xbe: {  	[tilespmem:s26], [sflag:$0x2] =	stream.linear.gather [hbm4b:s1+s16], $0x1000, $0x38;
	[tilespmem:$0x1C780] =	vst v63  }
.LBB2_4:
0xbf: {  	s20 =	sshll.u32 s19, $0xD  }
0xc0: {  	s21 =	sand.u32 $0x6000, s20  }
0xc1: {  	s20 =	sand.u32 $0xF8000, s20;
	s18 =	sor.u32 $0x1000, s21  }
0xc2: {  	s22 =	sor.u32 s20, s18  }
0xc3: {  	s22 =	sshrl.u32 s22, $0x3  }
0xc4: {  	s22 =	sadd.s32 s1, s22  }
0xc5: {  	[tilespmem:s7], [sflag:$0x3] =	stream.linear.gather [hbm4b:s22+s16], $0x1000, $0x38;
	[tilespmem:$0x1C780] =	vst v63  }
0xc6: {  	_ =	swait.ge [sflag:s9], $0x1000  }
0xc7: {  	[sflag:s9] =	ssyncset.done $0x0  }
0xc8: {  	s23 =	simm.s32 $0x0;
	s22 =	simm.s32 $0x0;
	[sflag:s9] =	ssyncadd.s32 $0xFFFFF000  }
.LBB2_5:
0xc9: {  	s24 =	sand.u32 $0x70, s23;
	s26 =	sand.u32 $0xC00, s22  }
0xca: {  	s24 =	sor.u32 s24, s26  }
0xcb: {  	v2 =	vld [tilespmem:s24+$0x18700];
	_ =	sdelay $0x4  }
0xcc: {  	vm2 =	vgt.s32 v2, $0x1867F;
	v3 =	vadd.s32 $0xFFFE7980, v2  }
0xcd: {  	v2 =	vsel vm2, $0x1867F, v2;
	vm3 =	vgt.s32 v3, $0x0  }
0xce: {  	v3 =	vnsel vm3, $0x0, v3  }
0xcf: {  	v4 =	vld [tilespmem:s24+$0x18780];
	_ =	sdelay $0x2  }
0xd0: {  	v2 =	vld.idx.msk [tilespmem:v2+s5+$0x0], $0xffff  }
0xd1: {  	v3 =	vld.idx.msk [tilespmem:v3+s6+$0x0], $0xffff  }
0xd2: {  	v5 =	vadd.s32 $0xFFFE7980, v4;
	vm3 =	vgt.s32 v4, $0x1867F  }
0xd3: {  	vm4 =	vgt.s32 v5, $0x0;
	v4 =	vsel vm3, $0x1867F, v4  }
0xd4: {  	v5 =	vnsel vm4, $0x0, v5  }
0xd5: {  	v6 =	vld [tilespmem:s24+$0x18800]  }
0xd6: {  	v2 =	vsel vm2, v3, v2  }
0xd7: {  	[tilespmem:s24+$0x1A700] =	vst v2  }
0xd8: {  	v2 =	vld.idx.msk [tilespmem:v4+s5+$0x0], $0xffff  }
0xd9: {  	v3 =	vld.idx.msk [tilespmem:v5+s6+$0x0], $0xffff  }
0xda: {  	v57 =	vadd.s32 $0xFFFE7980, v6;
	vm2 =	vgt.s32 v6, $0x1867F  }
0xdb: {  	vm13 =	vgt.s32 v57, $0x0;
	v58 =	vsel vm2, $0x1867F, v6  }
0xdc: {  	v4 =	vnsel vm13, $0x0, v57;
	_ =	sdelay $0x1  }
0xdd: {  	v2 =	vsel vm3, v3, v2  }
0xde: {  	[tilespmem:s24+$0x1A780] =	vst v2  }
0xdf: {  	v2 =	vld.idx.msk [tilespmem:v58+s5+$0x0], $0xffff  }
0xe0: {  	v3 =	vld.idx.msk [tilespmem:v4+s6+$0x0], $0xffff;
	_ =	sdelay $0x4  }
0xe1: {  	s26 =	sor.u32 s26, s23;
	v2 =	vsel vm2, v3, v2  }
0xe2: {  	s26 =	sor.u32 $0x180, s26;
	[tilespmem:s24+$0x1A800] =	vst v2  }
0xe3: {  	v2 =	vld [tilespmem:s26+$0x18700];
	_ =	sdelay $0x4  }
0xe4: {  	vm2 =	vgt.s32 v2, $0x1867F;
	v3 =	vadd.s32 $0xFFFE7980, v2  }
0xe5: {  	v2 =	vsel vm2, $0x1867F, v2;
	vm3 =	vgt.s32 v3, $0x0  }
0xe6: {  	v3 =	vnsel vm3, $0x0, v3;
	_ =	sdelay $0x3  }
0xe7: {  	v2 =	vld.idx.msk [tilespmem:v2+s5+$0x0], $0xffff  }
0xe8: {  	v3 =	vld.idx.msk [tilespmem:v3+s6+$0x0], $0xffff;
	_ =	sdelay $0x4  }
0xe9: {  	v2 =	vsel vm2, v3, v2  }
0xea: {  	[tilespmem:s26+$0x1A700] =	vst v2  }
0xeb: {  	v2 =	vld [tilespmem:s24+$0x18900];
	_ =	sdelay $0x4  }
0xec: {  	vm2 =	vgt.s32 v2, $0x1867F;
	v3 =	vadd.s32 $0xFFFE7980, v2  }
0xed: {  	v2 =	vsel vm2, $0x1867F, v2;
	vm3 =	vgt.s32 v3, $0x0  }
0xee: {  	v3 =	vnsel vm3, $0x0, v3  }
0xef: {  	v59 =	vld [tilespmem:s24+$0x18980];
	_ =	sdelay $0x2  }
0xf0: {  	v2 =	vld.idx.msk [tilespmem:v2+s5+$0x0], $0xffff  }
0xf1: {  	v3 =	vld.idx.msk [tilespmem:v3+s6+$0x0], $0xffff  }
0xf2: {  	v60 =	vadd.s32 $0xFFFE7980, v59;
	vm3 =	vgt.s32 v59, $0x1867F  }
0xf3: {  	vm14 =	vgt.s32 v60, $0x0;
	v4 =	vsel vm3, $0x1867F, v59  }
0xf4: {  	v5 =	vnsel vm14, $0x0, v60  }
0xf5: {  	v61 =	vld [tilespmem:s24+$0x18A00]  }
0xf6: {  	v2 =	vsel vm2, v3, v2  }
0xf7: {  	[tilespmem:s24+$0x1A900] =	vst v2  }
0xf8: {  	v2 =	vld.idx.msk [tilespmem:v4+s5+$0x0], $0xffff  }
0xf9: {  	v3 =	vld.idx.msk [tilespmem:v5+s6+$0x0], $0xffff  }
0xfa: {  	v62 =	vadd.s32 $0xFFFE7980, v61;
	vm2 =	vgt.s32 v61, $0x1867F  }
0xfb: {  	vm15 =	vgt.s32 v62, $0x0;
	v63 =	vsel vm2, $0x1867F, v61  }
0xfc: {  	v4 =	vnsel vm15, $0x0, v62;
	_ =	sdelay $0x1  }
0xfd: {  	v2 =	vsel vm3, v3, v2  }
0xfe: {  	[tilespmem:s24+$0x1A980] =	vst v2  }
0xff: {  	v2 =	vld.idx.msk [tilespmem:v63+s5+$0x0], $0xffff  }
0x100: {  	v3 =	vld.idx.msk [tilespmem:v4+s6+$0x0], $0xffff;
	_ =	sdelay $0x4  }
0x101: {  	s26 =	sor.u32 s22, s23;
	v2 =	vsel vm2, v3, v2  }
0x102: {  	s26 =	sor.u32 $0x380, s26;
	[tilespmem:s24+$0x1AA00] =	vst v2  }
0x103: {  	v2 =	vld [tilespmem:s26+$0x18700];
	_ =	sdelay $0x4  }
0x104: {  	vm2 =	vgt.s32 v2, $0x1867F;
	v3 =	vadd.s32 $0xFFFE7980, v2  }
0x105: {  	v2 =	vsel vm2, $0x1867F, v2;
	vm3 =	vgt.s32 v3, $0x0  }
0x106: {  	v3 =	vnsel vm3, $0x0, v3;
	_ =	sdelay $0x3  }
0x107: {  	v2 =	vld.idx.msk [tilespmem:v2+s5+$0x0], $0xffff  }
0x108: {  	v3 =	vld.idx.msk [tilespmem:v3+s6+$0x0], $0xffff  }
0x109: {  	p0 =	sne.s32 s23, $0x1F0  }
.Ltmp5:
0x10a: {  	_ = 	snop;
	(pc) =	sbr.rel @p0 .LBB2_5-.Ltmp5, $3  }
0x10b: {  	_ =	sdelay $0x1  }
0x10c: {  	v2 =	vsel vm2, v3, v2  }
0x10d: {  	s22 =	sadd.s32 $0x80, s22;
	s23 =	sadd.s32 $0x10, s23;
	[tilespmem:s26+$0x1A700] =	vst v2  }
0x10e: {  	s20 =	sadd.s32 s17, s20  }
0x10f: {  	s21 =	sor.u32 s21, s20  }
0x110: {  	s21 =	sshrl.u32 s21, $0x3  }
0x111: {  	p0 =	seq.s32 s19, $0x63;
	s21 =	sadd.s32 s3, s21  }
0x112: {  	[hbm4b:s21+s5] =	stream.linear.scatter [tilespmem:s10], [sflag:$0x4], $0x1000, $0x38;
	[tilespmem:$0x1C780] =	vst v63  }
0x113: {  	s21 =	sshll.u32 @!p0 s19, $0xA  }
0x114: {  	s22 =	simm.s32 @!p0 $0x0;
	s23 =	simm.s32 @!p0 $0x18700;
	s21 =	sadd.s32 @!p0 s21, s4  }
0x115: {  	[tilespmem:s23], [sflag:$0x2] =	stream.linear.gather @!p0 [hbm4b:s21+s22], $0x1000, $0x38;
	[tilespmem:$0x1C780] =	vst v63  }
0x116: {  	_ =	swait.ge [sflag:s11], $0x1000  }
0x117: {  	s19 =	sadd.s32 $0x1, s19;
	[sflag:s11] =	ssyncset.done $0x0  }
0x118: {  	s21 =	simm.s32 $0x0;
	s22 =	simm.s32 $0x0;
	[sflag:s11] =	ssyncadd.s32 $0xFFFFF000  }
.LBB2_7:
0x119: {  	s23 =	sand.u32 $0x70, s22;
	s24 =	sand.u32 $0xC00, s21  }
0x11a: {  	s23 =	sor.u32 s23, s24  }
0x11b: {  	v2 =	vld [tilespmem:s23+$0x19700];
	_ =	sdelay $0x4  }
0x11c: {  	vm2 =	vgt.s32 v2, $0x1867F;
	v3 =	vadd.s32 $0xFFFE7980, v2  }
0x11d: {  	v2 =	vsel vm2, $0x1867F, v2;
	vm3 =	vgt.s32 v3, $0x0  }
0x11e: {  	v3 =	vnsel vm3, $0x0, v3  }
0x11f: {  	v4 =	vld [tilespmem:s23+$0x19780];
	_ =	sdelay $0x2  }
0x120: {  	v2 =	vld.idx.msk [tilespmem:v2+s5+$0x0], $0xffff  }
0x121: {  	v3 =	vld.idx.msk [tilespmem:v3+s6+$0x0], $0xffff  }
0x122: {  	v5 =	vadd.s32 $0xFFFE7980, v4;
	vm3 =	vgt.s32 v4, $0x1867F  }
0x123: {  	vm4 =	vgt.s32 v5, $0x0;
	v4 =	vsel vm3, $0x1867F, v4  }
0x124: {  	v5 =	vnsel vm4, $0x0, v5  }
0x125: {  	v6 =	vld [tilespmem:s23+$0x19800]  }
0x126: {  	v2 =	vsel vm2, v3, v2  }
0x127: {  	[tilespmem:s23+$0x1B700] =	vst v2  }
0x128: {  	v2 =	vld.idx.msk [tilespmem:v4+s5+$0x0], $0xffff  }
0x129: {  	v3 =	vld.idx.msk [tilespmem:v5+s6+$0x0], $0xffff  }
0x12a: {  	v57 =	vadd.s32 $0xFFFE7980, v6;
	vm2 =	vgt.s32 v6, $0x1867F  }
0x12b: {  	vm13 =	vgt.s32 v57, $0x0;
	v58 =	vsel vm2, $0x1867F, v6  }
0x12c: {  	v4 =	vnsel vm13, $0x0, v57;
	_ =	sdelay $0x1  }
0x12d: {  	v2 =	vsel vm3, v3, v2  }
0x12e: {  	[tilespmem:s23+$0x1B780] =	vst v2  }
0x12f: {  	v2 =	vld.idx.msk [tilespmem:v58+s5+$0x0], $0xffff  }
0x130: {  	v3 =	vld.idx.msk [tilespmem:v4+s6+$0x0], $0xffff;
	_ =	sdelay $0x4  }
0x131: {  	s24 =	sor.u32 s24, s22;
	v2 =	vsel vm2, v3, v2  }
0x132: {  	s24 =	sor.u32 $0x180, s24;
	[tilespmem:s23+$0x1B800] =	vst v2  }
0x133: {  	v2 =	vld [tilespmem:s24+$0x19700];
	_ =	sdelay $0x4  }
0x134: {  	vm2 =	vgt.s32 v2, $0x1867F;
	v3 =	vadd.s32 $0xFFFE7980, v2  }
0x135: {  	v2 =	vsel vm2, $0x1867F, v2;
	vm3 =	vgt.s32 v3, $0x0  }
0x136: {  	v3 =	vnsel vm3, $0x0, v3;
	_ =	sdelay $0x3  }
0x137: {  	v2 =	vld.idx.msk [tilespmem:v2+s5+$0x0], $0xffff  }
0x138: {  	v3 =	vld.idx.msk [tilespmem:v3+s6+$0x0], $0xffff;
	_ =	sdelay $0x4  }
0x139: {  	v2 =	vsel vm2, v3, v2  }
0x13a: {  	[tilespmem:s24+$0x1B700] =	vst v2  }
0x13b: {  	v2 =	vld [tilespmem:s23+$0x19900];
	_ =	sdelay $0x4  }
0x13c: {  	vm2 =	vgt.s32 v2, $0x1867F;
	v3 =	vadd.s32 $0xFFFE7980, v2  }
0x13d: {  	v2 =	vsel vm2, $0x1867F, v2;
	vm3 =	vgt.s32 v3, $0x0  }
0x13e: {  	v3 =	vnsel vm3, $0x0, v3  }
0x13f: {  	v59 =	vld [tilespmem:s23+$0x19980];
	_ =	sdelay $0x2  }
0x140: {  	v2 =	vld.idx.msk [tilespmem:v2+s5+$0x0], $0xffff  }
0x141: {  	v3 =	vld.idx.msk [tilespmem:v3+s6+$0x0], $0xffff  }
0x142: {  	v60 =	vadd.s32 $0xFFFE7980, v59;
	vm3 =	vgt.s32 v59, $0x1867F  }
0x143: {  	vm14 =	vgt.s32 v60, $0x0;
	v4 =	vsel vm3, $0x1867F, v59  }
0x144: {  	v5 =	vnsel vm14, $0x0, v60  }
0x145: {  	v61 =	vld [tilespmem:s23+$0x19A00]  }
0x146: {  	v2 =	vsel vm2, v3, v2  }
0x147: {  	[tilespmem:s23+$0x1B900] =	vst v2  }
0x148: {  	v2 =	vld.idx.msk [tilespmem:v4+s5+$0x0], $0xffff  }
0x149: {  	v3 =	vld.idx.msk [tilespmem:v5+s6+$0x0], $0xffff  }
0x14a: {  	v62 =	vadd.s32 $0xFFFE7980, v61;
	vm2 =	vgt.s32 v61, $0x1867F  }
0x14b: {  	vm15 =	vgt.s32 v62, $0x0;
	v63 =	vsel vm2, $0x1867F, v61  }
0x14c: {  	v4 =	vnsel vm15, $0x0, v62;
	_ =	sdelay $0x1  }
0x14d: {  	v2 =	vsel vm3, v3, v2  }
0x14e: {  	[tilespmem:s23+$0x1B980] =	vst v2  }
0x14f: {  	v2 =	vld.idx.msk [tilespmem:v63+s5+$0x0], $0xffff  }
0x150: {  	v3 =	vld.idx.msk [tilespmem:v4+s6+$0x0], $0xffff;
	_ =	sdelay $0x4  }
0x151: {  	s26 =	sor.u32 s21, s22;
	v2 =	vsel vm2, v3, v2  }
0x152: {  	s26 =	sor.u32 $0x380, s26;
	[tilespmem:s23+$0x1BA00] =	vst v2  }
0x153: {  	v2 =	vld [tilespmem:s26+$0x19700];
	_ =	sdelay $0x4  }
0x154: {  	vm2 =	vgt.s32 v2, $0x1867F;
	v3 =	vadd.s32 $0xFFFE7980, v2  }
0x155: {  	v2 =	vsel vm2, $0x1867F, v2;
	vm3 =	vgt.s32 v3, $0x0  }
0x156: {  	v3 =	vnsel vm3, $0x0, v3;
	_ =	sdelay $0x3  }
0x157: {  	v2 =	vld.idx.msk [tilespmem:v2+s5+$0x0], $0xffff  }
0x158: {  	v3 =	vld.idx.msk [tilespmem:v3+s6+$0x0], $0xffff  }
0x159: {  	p0 =	sne.s32 s22, $0x1F0  }
.Ltmp6:
0x15a: {  	_ = 	snop;
	(pc) =	sbr.rel @p0 .LBB2_7-.Ltmp6, $3  }
0x15b: {  	_ =	sdelay $0x1  }
0x15c: {  	v2 =	vsel vm2, v3, v2  }
0x15d: {  	s21 =	sadd.s32 $0x80, s21;
	s22 =	sadd.s32 $0x10, s22;
	[tilespmem:s26+$0x1B700] =	vst v2  }
0x15e: {  	s18 =	sor.u32 s18, s20  }
0x15f: {  	s18 =	sshrl.u32 s18, $0x3  }
0x160: {  	s18 =	sadd.s32 s3, s18  }
0x161: {  	[hbm4b:s18+s5] =	stream.linear.scatter [tilespmem:s12], [sflag:$0x5], $0x1000, $0x38;
	[tilespmem:$0x1C780] =	vst v63  }
0x162: {  	p0 =	sne.s32 s19, $0x64;
	_ =	swait.ge [sflag:s13], $0x1000  }
.Ltmp7:
0x163: {  	[sflag:s13] =	ssyncset.done $0x0;
	(pc) =	sbr.rel @p0 .LBB2_4-.Ltmp7, $4  }
.Ltmp8:
0x164: {  	[sflag:s13] =	ssyncadd.s32 $0xFFFFF000;
	(pc) =	sbr.rel @!p0 .LBB2_9-.Ltmp8, $4  }
0x165: {  	_ =	swait.ge [sflag:s14], $0x1000  }
0x166: {  	[sflag:s14] =	ssyncset.done $0x0  }
0x167: {  	[sflag:s14] =	ssyncadd.s32 $0xFFFFF000  }
0x168: {  	_ = 	snop  }
.LBB2_11:
0x169: {  	_ =	sfence.sel $0x180000  }
0x16a: {  	[bflag:$0x0] =	sbarrier.arrive $0xFFFF  }
0x16b: {  	_ =	strace $0x90000047  }
0x16c: {  	s0 =	stileid.u32;
	[bflag:$0x2] =	sbarrier.arrive $0xFFFF  }
0x16d: {  	p0 =	sne.s32 s0, $0x0;
	s0 =	rddreg [dreg:$0x4]  }
0x16e: {  	s0 =	sadd.s32 @!p0 $0x100000, s0  }
0x16f: {  	[sflag:s0] =	ssyncadd.tile.s32 @!p0 $0x1;
	_ =	shalt  }
.Lfunc_end2:
_tile_overlayer_lowered:
.L_overlay_start_2:
0x170: {  	(tag) =	ssettag $0x2  }
0x171: {  	s0 =	rddreg [dreg:$0x0];
	s2 =	stileid.u32  }
0x172: {  	s1 =	rddreg [dreg:$0x1];
	p0 =	sne.s32 s2, $0x0  }
0x173: {  	s3 =	rddreg [dreg:$0x2];
	[bflag:$0x3] =	sbarrier.arrive $0xFFFF;
	s2 =	simm.s32 @!p0 $0x1C06  }
0x174: {  	[timem:s3], [sflag:s2] =	dma.local @!p0 [hbm:s0], s1  }
0x175: {  	s0 =	simm.s32 @!p0 $0x6  }
0x176: {  	_ =	swait.ge @!p0 [sflag:s0], s1  }
0x177: {  	s1 =	ssub.s32 @!p0 $0x0, s1;
	[sflag:s0] =	ssyncset.done @!p0 $0x0  }
0x178: {  	[sflag:s0] =	ssyncadd.s32 @!p0 s1  }
0x179: {  	[bflag:$0x3] =	sbarrier.arrive $0xFFFF  }
0x17a: {  	_ =	shalt  }

</sc_bundles>
